<compile_context>
chip_gen: v7x
topology: tpu7x:2x2x1
jax: 0.10.2.dev20260603
libtpu: 0.0.44.dev20260713+nightly
codegen_flags: <defaults>
</compile_context>

<pallas_src>
import functools

import jax
import jax.numpy as jnp
from jax import lax
from jax.experimental import pallas as pl
from jax.experimental.pallas import tpu as pltpu
from jax.experimental.pallas import tpu_sc as plsc

B, N, C, G = 8, 2048, 128, 64
GP = 68
NC, NS = 2, 16
BPC = B // NC
SPB = NS // BPC
TPW = N // SPB
NCHUNK = 8
CHUNK = TPW // NCHUNK
ACC_ROWS = BPC * GP
ZROWS = ACC_ROWS // NS
GPS = G // SPB
OCC_W = 80
INV_N = 1.0 / N


def _body(x_hbm, y_hbm, feat_hbm, mask_hbm, *scr):
    xbufs = scr[0:NCHUNK]
    xsems = scr[NCHUNK:2 * NCHUNK]
    ssems = scr[2 * NCHUNK:3 * NCHUNK]
    lv, iv, occ, occ4, zf, fout, mv, lsem, acc, occ_sh = scr[3 * NCHUNK:]

    c = lax.axis_index("c")
    s = lax.axis_index("s")
    b_loc = s // SPB
    chunk = s % SPB
    gb_tok = chunk * TPW
    cb = c * BPC + b_loc
    tok_base = cb * N + gb_tok

    lcopy = pltpu.async_copy(y_hbm.at[pl.ds(tok_base, TPW)], lv, lsem)
    xcopies = [
        pltpu.async_copy(x_hbm.at[cb, pl.ds(gb_tok + r * CHUNK, CHUNK)],
                         xbufs[r], xsems[r])
        for r in range(NCHUNK)
    ]

    def zero_row(r, _):
        for j in range(C // 16):
            zf[r, pl.ds(j * 16, 16)] = jnp.zeros((16,), jnp.float32)
        return 0
    lax.fori_loop(0, ZROWS, zero_row, 0)
    pltpu.sync_copy(zf, acc.at[pl.ds(s * ZROWS, ZROWS)])

    for j in range(OCC_W // 16):
        occ[pl.ds(j * 16, 16)] = jnp.zeros((16,), jnp.int32)

    lcopy.wait()
    row0 = b_loc * GP
    one16 = jnp.ones((16,), jnp.int32)
    for r in range(NCHUNK):
        for j in range(CHUNK // 16):
            v = lv[pl.ds(r * CHUNK + j * 16, 16)]
            w = jnp.where(v < 0, G, v)
            iv[r, pl.ds(j * 16, 16)] = w + row0
            plsc.store_scatter(occ, [w], one16)

    plsc.subcore_barrier()

    scatters = []
    for r in range(NCHUNK):
        xcopies[r].wait()
        scatters.append(
            pltpu.async_copy(xbufs[r], acc.at[iv.at[r]], ssems[r], add=True))
    pltpu.sync_copy(occ, occ_sh.at[s])
    for r in range(NCHUNK):
        scatters[r].wait()

    plsc.subcore_barrier()

    gb = chunk * GPS
    src = b_loc * GP + gb
    ocopy = pltpu.async_copy(occ_sh.at[pl.ds(b_loc * SPB, SPB)], occ4, lsem)
    fcopy = pltpu.async_copy(acc.at[pl.ds(src, GPS)], fout, xsems[0])
    fcopy.wait()

    def scale_row(r, _):
        for j in range(C // 16):
            fout[r, pl.ds(j * 16, 16)] = fout[r, pl.ds(j * 16, 16)] * INV_N
        return 0
    lax.fori_loop(0, GPS, scale_row, 0)

    fwr = pltpu.async_copy(fout, feat_hbm.at[cb, pl.ds(gb, GPS)], xsems[1])

    ocopy.wait()
    m = occ4[0, pl.ds(gb, GPS)]
    for r in range(1, SPB):
        m = jnp.maximum(m, occ4[r, pl.ds(gb, GPS)])
    mv[:] = m
    pltpu.sync_copy(mv, mask_hbm.at[pl.ds(cb * G + gb, GPS)])
    fwr.wait()


_scratch = (
    [pltpu.VMEM((CHUNK, C), jnp.float32)] * NCHUNK +
    [pltpu.SemaphoreType.DMA] * NCHUNK +
    [pltpu.SemaphoreType.DMA] * NCHUNK +
    [
        pltpu.VMEM((TPW,), jnp.int32),
        pltpu.VMEM((NCHUNK, CHUNK), jnp.int32),
        pltpu.VMEM((OCC_W,), jnp.int32),
        pltpu.VMEM((SPB, OCC_W), jnp.int32),
        pltpu.VMEM((ZROWS, C), jnp.float32),
        pltpu.VMEM((GPS, C), jnp.float32),
        pltpu.VMEM((16,), jnp.int32),
        pltpu.SemaphoreType.DMA,
        pltpu.VMEM_SHARED((ACC_ROWS, C), jnp.float32),
        pltpu.VMEM_SHARED((NS, OCC_W), jnp.int32),
    ]
)

_grouped_pool = functools.partial(
    pl.kernel,
    out_type=(
        jax.ShapeDtypeStruct((B, G, C), jnp.float32),
        jax.ShapeDtypeStruct((B * G,), jnp.int32),
    ),
    mesh=plsc.VectorSubcoreMesh(core_axis_name="c", subcore_axis_name="s"),
    compiler_params=pltpu.CompilerParams(needs_layout_passes=False),
    scratch_types=_scratch,
)(_body)


@jax.jit
def kernel(x, y):
    feat, mask = _grouped_pool(x, y.reshape(B * N))
    return feat, mask.reshape(B, G).astype(bool)

# --- scband reference (transcript-rebuilt; emitter-appended) ---
"""Pipeline reference for scband-group-avg-pool1d-47931835023909 (READ-ONLY COPY).

The authoritative reference and input builder live on the scoring server;
editing this copy changes nothing except your own understanding.
"""

import jax, jax.numpy as jnp
import numpy as np

G = 64  # init_kwargs g


def setup_inputs(seed: int = 0) -> dict:
    key = jax.random.key(seed)
    k1, k2 = jax.random.split(key)
    x = jax.random.normal(k1, (8, 2048, 128), dtype=jnp.float32)
    # labels in [0, G]; value G acts as the padding class that gets sliced off,
    # exactly mirroring torch's y[y<0]=g followed by one_hot(...)[...,:-1]
    y = jax.random.randint(k2, (8, 2048), 0, G + 1, dtype=jnp.int32)
    return {"x": x, "y": y}


def reference(x, y):
    # y: [B, N] int labels; remap negatives to padding class G
    y = jnp.where(y < 0, G, y)
    # one_hot over G+1 classes, drop the padding class -> [B, N, G]
    one_hot = jax.nn.one_hot(y, G + 1, dtype=x.dtype)[..., :-1]
    # torch: (x[B,N,1,C] * one_hot[B,N,G,1]).mean(dim=1) == segment-sum / N
    n = x.shape[1]
    feature = jnp.einsum('bnc,bng->bgc', x, one_hot) / n  # [B, G, C]
    # torch: any over (N, trailing singleton) -> [B, G]
    mask = jnp.any(one_hot > 0, axis=1)  # [B, G]
    return feature, mask

if __name__ == "__main__":
    import jax
    _d = setup_inputs()
    print(jax.jit(kernel)(*tuple(_d.values())))

</pallas_src>

<mosaic_0001>
#map = affine_map<(d0, d1) -> (0, 0, 0)>
#map1 = affine_map<(d0, d1) -> (0)>
module attributes {stable_mosaic.version = 14 : i64} {
  func.func @_body(%arg0: i32, %arg1: i32, %arg2: memref<8x2048x128xf32, #tpu.memory_space<hbm>>, %arg3: memref<16384xi32, #tpu.memory_space<hbm>>, %arg4: memref<8x64x128xf32, #tpu.memory_space<hbm>>, %arg5: memref<512xi32, #tpu.memory_space<hbm>>, %arg6: memref<64x128xf32, #tpu.memory_space<vmem>>, %arg7: memref<64x128xf32, #tpu.memory_space<vmem>>, %arg8: memref<64x128xf32, #tpu.memory_space<vmem>>, %arg9: memref<64x128xf32, #tpu.memory_space<vmem>>, %arg10: memref<64x128xf32, #tpu.memory_space<vmem>>, %arg11: memref<64x128xf32, #tpu.memory_space<vmem>>, %arg12: memref<64x128xf32, #tpu.memory_space<vmem>>, %arg13: memref<64x128xf32, #tpu.memory_space<vmem>>, %arg14: memref<!tpu.dma_semaphore, #tpu.memory_space<semaphore_mem>>, %arg15: memref<!tpu.dma_semaphore, #tpu.memory_space<semaphore_mem>>, %arg16: memref<!tpu.dma_semaphore, #tpu.memory_space<semaphore_mem>>, %arg17: memref<!tpu.dma_semaphore, #tpu.memory_space<semaphore_mem>>, %arg18: memref<!tpu.dma_semaphore, #tpu.memory_space<semaphore_mem>>, %arg19: memref<!tpu.dma_semaphore, #tpu.memory_space<semaphore_mem>>, %arg20: memref<!tpu.dma_semaphore, #tpu.memory_space<semaphore_mem>>, %arg21: memref<!tpu.dma_semaphore, #tpu.memory_space<semaphore_mem>>, %arg22: memref<!tpu.dma_semaphore, #tpu.memory_space<semaphore_mem>>, %arg23: memref<!tpu.dma_semaphore, #tpu.memory_space<semaphore_mem>>, %arg24: memref<!tpu.dma_semaphore, #tpu.memory_space<semaphore_mem>>, %arg25: memref<!tpu.dma_semaphore, #tpu.memory_space<semaphore_mem>>, %arg26: memref<!tpu.dma_semaphore, #tpu.memory_space<semaphore_mem>>, %arg27: memref<!tpu.dma_semaphore, #tpu.memory_space<semaphore_mem>>, %arg28: memref<!tpu.dma_semaphore, #tpu.memory_space<semaphore_mem>>, %arg29: memref<!tpu.dma_semaphore, #tpu.memory_space<semaphore_mem>>, %arg30: memref<512xi32, #tpu.memory_space<vmem>>, %arg31: memref<8x64xi32, #tpu.memory_space<vmem>>, %arg32: memref<80xi32, #tpu.memory_space<vmem>>, %arg33: memref<4x80xi32, #tpu.memory_space<vmem>>, %arg34: memref<17x128xf32, #tpu.memory_space<vmem>>, %arg35: memref<16x128xf32, #tpu.memory_space<vmem>>, %arg36: memref<16xi32, #tpu.memory_space<vmem>>, %arg37: memref<!tpu.dma_semaphore, #tpu.memory_space<semaphore_mem>>, %arg38: memref<272x128xf32, #tpu.memory_space<vmem_shared>>, %arg39: memref<16x80xi32, #tpu.memory_space<vmem_shared>>) attributes {dimension_semantics = [#tpu.dimension_semantics<core_parallel>, #tpu.dimension_semantics<subcore_parallel>], iteration_bounds = array<i64: 2, 16>, scalar_prefetch = 0 : i64, scratch_operands = 34 : i64, tpu.core_type = #tpu.core_type<sc_vector_subcore>, window_params = [{transform_indices = #map}, {transform_indices = #map1}, {transform_indices = #map}, {transform_indices = #map1}]} {
    %jit3A = arith.constant 4 : i32
    %div3A = arith.divsi %arg1, %jit3A : i32
    %sign3A = arith.constant 0 : i32
    %sign3A_0 = arith.cmpi sgt, %arg1, %sign3A : i32
    %sign3A_1 = arith.extui %sign3A_0 : i1 to i32
    %sign3A_2 = arith.constant 0 : i32
    %sign3A_3 = arith.cmpi slt, %arg1, %sign3A_2 : i32
    %sign3A_4 = arith.extui %sign3A_3 : i1 to i32
    %sign3A_5 = arith.subi %sign3A_1, %sign3A_4 : i32
    %sign3A_6 = arith.constant 0 : i32
    %sign3A_7 = arith.cmpi sgt, %jit3A, %sign3A_6 : i32
    %sign3A_8 = arith.extui %sign3A_7 : i1 to i32
    %sign3A_9 = arith.constant 0 : i32
    %sign3A_10 = arith.cmpi slt, %jit3A, %sign3A_9 : i32
    %sign3A_11 = arith.extui %sign3A_10 : i1 to i32
    %sign3A_12 = arith.subi %sign3A_8, %sign3A_11 : i32
    %ne3A = arith.cmpi ne, %sign3A_5, %sign3A_12 : i32
    %rem3A = arith.remsi %arg1, %jit3A : i32
    %ne3A_13 = arith.constant 0 : i32
    %ne3A_14 = arith.cmpi ne, %rem3A, %ne3A_13 : i32
    %and3A = arith.andi %ne3A, %ne3A_14 : i1
    %sub3A = arith.constant 1 : i32
    %sub3A_15 = arith.subi %div3A, %sub3A : i32
    %select_n3A = arith.select %and3A, %sub3A_15, %div3A : i32
    %jit3A_16 = arith.constant 4 : i32
    %eq3A = arith.constant 0 : i32
    %eq3A_17 = arith.cmpi eq, %jit3A_16, %eq3A : i32
    %jit3A_18 = arith.constant 1 : i32
    %select_n3A_19 = arith.select %eq3A_17, %jit3A_18, %jit3A_16 : i32
    %rem3A_20 = arith.remsi %arg1, %select_n3A_19 : i32
    %ne3A_21 = arith.constant 0 : i32
    %ne3A_22 = arith.cmpi ne, %rem3A_20, %ne3A_21 : i32
    %lt3A = arith.constant 0 : i32
    %lt3A_23 = arith.cmpi slt, %rem3A_20, %lt3A : i32
    %lt3A_24 = arith.constant 0 : i32
    %lt3A_25 = arith.cmpi slt, %select_n3A_19, %lt3A_24 : i32
    %ne3A_26 = arith.xori %lt3A_23, %lt3A_25 : i1
    %and3A_27 = arith.andi %ne3A_26, %ne3A_22 : i1
    %add3A = arith.addi %rem3A_20, %select_n3A_19 : i32
    %select_n3A_28 = arith.select %and3A_27, %add3A, %rem3A_20 : i32
    %mul3A = arith.constant 512 : i32
    %mul3A_29 = arith.muli %select_n3A_28, %mul3A : i32
    %mul3A_30 = arith.constant 4 : i32
    %mul3A_31 = arith.muli %arg0, %mul3A_30 : i32
    %add3A_32 = arith.addi %mul3A_31, %select_n3A : i32
    %mul3A_33 = arith.constant 2048 : i32
    %mul3A_34 = arith.muli %add3A_32, %mul3A_33 : i32
    %add3A_35 = arith.addi %mul3A_34, %mul3A_29 : i32
    %dma_start3A = tpu.memref_slice %arg3[%add3A_35] : memref<16384xi32, #tpu.memory_space<hbm>> -> memref<512xi32, #tpu.memory_space<hbm>>
    %dma_start3A_36 = tpu.memref_slice %arg3[%add3A_35] : memref<16384xi32, #tpu.memory_space<hbm>> -> memref<512xi32, #tpu.memory_space<hbm>>
    tpu.enqueue_dma source(%dma_start3A_36 : memref<512xi32, #tpu.memory_space<hbm>>) target(%arg30 : memref<512xi32, #tpu.memory_space<vmem>>) target_semaphore(%arg37 : memref<!tpu.dma_semaphore, #tpu.memory_space<semaphore_mem>>)
    %add3A_37 = arith.constant 0 : i32
    %add3A_38 = arith.addi %mul3A_29, %add3A_37 : i32
    %dma_start3A_39 = arith.constant 0 : i32
    %dma_start3A_40 = tpu.memref_slice %arg2[%add3A_32, %add3A_38, %dma_start3A_39] : memref<8x2048x128xf32, #tpu.memory_space<hbm>> -> memref<1x64x128xf32, #tpu.memory_space<hbm>>
    %dma_start3A_41 = tpu.memref_squeeze %dma_start3A_40 : memref<1x64x128xf32, #tpu.memory_space<hbm>> -> memref<64x128xf32, #tpu.memory_space<hbm>>
    %dma_start3A_42 = arith.constant 0 : i32
    %dma_start3A_43 = tpu.memref_slice %arg2[%add3A_32, %add3A_38, %dma_start3A_42] : memref<8x2048x128xf32, #tpu.memory_space<hbm>> -> memref<1x64x128xf32, #tpu.memory_space<hbm>>
    %dma_start3A_44 = tpu.memref_squeeze %dma_start3A_43 : memref<1x64x128xf32, #tpu.memory_space<hbm>> -> memref<64x128xf32, #tpu.memory_space<hbm>>
    tpu.enqueue_dma source(%dma_start3A_44 : memref<64x128xf32, #tpu.memory_space<hbm>>) target(%arg6 : memref<64x128xf32, #tpu.memory_space<vmem>>) target_semaphore(%arg14 : memref<!tpu.dma_semaphore, #tpu.memory_space<semaphore_mem>>)
    %add3A_45 = arith.constant 64 : i32
    %add3A_46 = arith.addi %mul3A_29, %add3A_45 : i32
    %dma_start3A_47 = arith.constant 0 : i32
    %dma_start3A_48 = tpu.memref_slice %arg2[%add3A_32, %add3A_46, %dma_start3A_47] : memref<8x2048x128xf32, #tpu.memory_space<hbm>> -> memref<1x64x128xf32, #tpu.memory_space<hbm>>
    %dma_start3A_49 = tpu.memref_squeeze %dma_start3A_48 : memref<1x64x128xf32, #tpu.memory_space<hbm>> -> memref<64x128xf32, #tpu.memory_space<hbm>>
    %dma_start3A_50 = arith.constant 0 : i32
    %dma_start3A_51 = tpu.memref_slice %arg2[%add3A_32, %add3A_46, %dma_start3A_50] : memref<8x2048x128xf32, #tpu.memory_space<hbm>> -> memref<1x64x128xf32, #tpu.memory_space<hbm>>
    %dma_start3A_52 = tpu.memref_squeeze %dma_start3A_51 : memref<1x64x128xf32, #tpu.memory_space<hbm>> -> memref<64x128xf32, #tpu.memory_space<hbm>>
    tpu.enqueue_dma source(%dma_start3A_52 : memref<64x128xf32, #tpu.memory_space<hbm>>) target(%arg7 : memref<64x128xf32, #tpu.memory_space<vmem>>) target_semaphore(%arg15 : memref<!tpu.dma_semaphore, #tpu.memory_space<semaphore_mem>>)
    %add3A_53 = arith.constant 128 : i32
    %add3A_54 = arith.addi %mul3A_29, %add3A_53 : i32
    %dma_start3A_55 = arith.constant 0 : i32
    %dma_start3A_56 = tpu.memref_slice %arg2[%add3A_32, %add3A_54, %dma_start3A_55] : memref<8x2048x128xf32, #tpu.memory_space<hbm>> -> memref<1x64x128xf32, #tpu.memory_space<hbm>>
    %dma_start3A_57 = tpu.memref_squeeze %dma_start3A_56 : memref<1x64x128xf32, #tpu.memory_space<hbm>> -> memref<64x128xf32, #tpu.memory_space<hbm>>
    %dma_start3A_58 = arith.constant 0 : i32
    %dma_start3A_59 = tpu.memref_slice %arg2[%add3A_32, %add3A_54, %dma_start3A_58] : memref<8x2048x128xf32, #tpu.memory_space<hbm>> -> memref<1x64x128xf32, #tpu.memory_space<hbm>>
    %dma_start3A_60 = tpu.memref_squeeze %dma_start3A_59 : memref<1x64x128xf32, #tpu.memory_space<hbm>> -> memref<64x128xf32, #tpu.memory_space<hbm>>
    tpu.enqueue_dma source(%dma_start3A_60 : memref<64x128xf32, #tpu.memory_space<hbm>>) target(%arg8 : memref<64x128xf32, #tpu.memory_space<vmem>>) target_semaphore(%arg16 : memref<!tpu.dma_semaphore, #tpu.memory_space<semaphore_mem>>)
    %add3A_61 = arith.constant 192 : i32
    %add3A_62 = arith.addi %mul3A_29, %add3A_61 : i32
    %dma_start3A_63 = arith.constant 0 : i32
    %dma_start3A_64 = tpu.memref_slice %arg2[%add3A_32, %add3A_62, %dma_start3A_63] : memref<8x2048x128xf32, #tpu.memory_space<hbm>> -> memref<1x64x128xf32, #tpu.memory_space<hbm>>
    %dma_start3A_65 = tpu.memref_squeeze %dma_start3A_64 : memref<1x64x128xf32, #tpu.memory_space<hbm>> -> memref<64x128xf32, #tpu.memory_space<hbm>>
    %dma_start3A_66 = arith.constant 0 : i32
    %dma_start3A_67 = tpu.memref_slice %arg2[%add3A_32, %add3A_62, %dma_start3A_66] : memref<8x2048x128xf32, #tpu.memory_space<hbm>> -> memref<1x64x128xf32, #tpu.memory_space<hbm>>
    %dma_start3A_68 = tpu.memref_squeeze %dma_start3A_67 : memref<1x64x128xf32, #tpu.memory_space<hbm>> -> memref<64x128xf32, #tpu.memory_space<hbm>>
    tpu.enqueue_dma source(%dma_start3A_68 : memref<64x128xf32, #tpu.memory_space<hbm>>) target(%arg9 : memref<64x128xf32, #tpu.memory_space<vmem>>) target_semaphore(%arg17 : memref<!tpu.dma_semaphore, #tpu.memory_space<semaphore_mem>>)
    %add3A_69 = arith.constant 256 : i32
    %add3A_70 = arith.addi %mul3A_29, %add3A_69 : i32
    %dma_start3A_71 = arith.constant 0 : i32
    %dma_start3A_72 = tpu.memref_slice %arg2[%add3A_32, %add3A_70, %dma_start3A_71] : memref<8x2048x128xf32, #tpu.memory_space<hbm>> -> memref<1x64x128xf32, #tpu.memory_space<hbm>>
    %dma_start3A_73 = tpu.memref_squeeze %dma_start3A_72 : memref<1x64x128xf32, #tpu.memory_space<hbm>> -> memref<64x128xf32, #tpu.memory_space<hbm>>
    %dma_start3A_74 = arith.constant 0 : i32
    %dma_start3A_75 = tpu.memref_slice %arg2[%add3A_32, %add3A_70, %dma_start3A_74] : memref<8x2048x128xf32, #tpu.memory_space<hbm>> -> memref<1x64x128xf32, #tpu.memory_space<hbm>>
    %dma_start3A_76 = tpu.memref_squeeze %dma_start3A_75 : memref<1x64x128xf32, #tpu.memory_space<hbm>> -> memref<64x128xf32, #tpu.memory_space<hbm>>
    tpu.enqueue_dma source(%dma_start3A_76 : memref<64x128xf32, #tpu.memory_space<hbm>>) target(%arg10 : memref<64x128xf32, #tpu.memory_space<vmem>>) target_semaphore(%arg18 : memref<!tpu.dma_semaphore, #tpu.memory_space<semaphore_mem>>)
    %add3A_77 = arith.constant 320 : i32
    %add3A_78 = arith.addi %mul3A_29, %add3A_77 : i32
    %dma_start3A_79 = arith.constant 0 : i32
    %dma_start3A_80 = tpu.memref_slice %arg2[%add3A_32, %add3A_78, %dma_start3A_79] : memref<8x2048x128xf32, #tpu.memory_space<hbm>> -> memref<1x64x128xf32, #tpu.memory_space<hbm>>
    %dma_start3A_81 = tpu.memref_squeeze %dma_start3A_80 : memref<1x64x128xf32, #tpu.memory_space<hbm>> -> memref<64x128xf32, #tpu.memory_space<hbm>>
    %dma_start3A_82 = arith.constant 0 : i32
    %dma_start3A_83 = tpu.memref_slice %arg2[%add3A_32, %add3A_78, %dma_start3A_82] : memref<8x2048x128xf32, #tpu.memory_space<hbm>> -> memref<1x64x128xf32, #tpu.memory_space<hbm>>
    %dma_start3A_84 = tpu.memref_squeeze %dma_start3A_83 : memref<1x64x128xf32, #tpu.memory_space<hbm>> -> memref<64x128xf32, #tpu.memory_space<hbm>>
    tpu.enqueue_dma source(%dma_start3A_84 : memref<64x128xf32, #tpu.memory_space<hbm>>) target(%arg11 : memref<64x128xf32, #tpu.memory_space<vmem>>) target_semaphore(%arg19 : memref<!tpu.dma_semaphore, #tpu.memory_space<semaphore_mem>>)
    %add3A_85 = arith.constant 384 : i32
    %add3A_86 = arith.addi %mul3A_29, %add3A_85 : i32
    %dma_start3A_87 = arith.constant 0 : i32
    %dma_start3A_88 = tpu.memref_slice %arg2[%add3A_32, %add3A_86, %dma_start3A_87] : memref<8x2048x128xf32, #tpu.memory_space<hbm>> -> memref<1x64x128xf32, #tpu.memory_space<hbm>>
    %dma_start3A_89 = tpu.memref_squeeze %dma_start3A_88 : memref<1x64x128xf32, #tpu.memory_space<hbm>> -> memref<64x128xf32, #tpu.memory_space<hbm>>
    %dma_start3A_90 = arith.constant 0 : i32
    %dma_start3A_91 = tpu.memref_slice %arg2[%add3A_32, %add3A_86, %dma_start3A_90] : memref<8x2048x128xf32, #tpu.memory_space<hbm>> -> memref<1x64x128xf32, #tpu.memory_space<hbm>>
    %dma_start3A_92 = tpu.memref_squeeze %dma_start3A_91 : memref<1x64x128xf32, #tpu.memory_space<hbm>> -> memref<64x128xf32, #tpu.memory_space<hbm>>
    tpu.enqueue_dma source(%dma_start3A_92 : memref<64x128xf32, #tpu.memory_space<hbm>>) target(%arg12 : memref<64x128xf32, #tpu.memory_space<vmem>>) target_semaphore(%arg20 : memref<!tpu.dma_semaphore, #tpu.memory_space<semaphore_mem>>)
    %add3A_93 = arith.constant 448 : i32
    %add3A_94 = arith.addi %mul3A_29, %add3A_93 : i32
    %dma_start3A_95 = arith.constant 0 : i32
    %dma_start3A_96 = tpu.memref_slice %arg2[%add3A_32, %add3A_94, %dma_start3A_95] : memref<8x2048x128xf32, #tpu.memory_space<hbm>> -> memref<1x64x128xf32, #tpu.memory_space<hbm>>
    %dma_start3A_97 = tpu.memref_squeeze %dma_start3A_96 : memref<1x64x128xf32, #tpu.memory_space<hbm>> -> memref<64x128xf32, #tpu.memory_space<hbm>>
    %dma_start3A_98 = arith.constant 0 : i32
    %dma_start3A_99 = tpu.memref_slice %arg2[%add3A_32, %add3A_94, %dma_start3A_98] : memref<8x2048x128xf32, #tpu.memory_space<hbm>> -> memref<1x64x128xf32, #tpu.memory_space<hbm>>
    %dma_start3A_100 = tpu.memref_squeeze %dma_start3A_99 : memref<1x64x128xf32, #tpu.memory_space<hbm>> -> memref<64x128xf32, #tpu.memory_space<hbm>>
    tpu.enqueue_dma source(%dma_start3A_100 : memref<64x128xf32, #tpu.memory_space<hbm>>) target(%arg13 : memref<64x128xf32, #tpu.memory_space<vmem>>) target_semaphore(%arg21 : memref<!tpu.dma_semaphore, #tpu.memory_space<semaphore_mem>>)
    %scan3A = arith.constant 0 : i32
    %scan3A_101 = arith.constant 0 : i32
    %scan3A_102 = arith.constant 17 : i32
    %scan3A_103 = arith.addi %scan3A_101, %scan3A_102 : i32
    %scan3A_104 = arith.constant 1 : i32
    %scan3A_105 = scf.for %scan3A_805 = %scan3A_101 to %scan3A_103 step %scan3A_104 iter_args(%scan3A_806 = %scan3A) -> (i32)  : i32 {
      %broadcast_in_dim3A_807 = arith.constant 0.000000e+00 : f32
      %broadcast_in_dim3A_808 = vector.broadcast %broadcast_in_dim3A_807 : f32 to vector<16xf32>
      %swap3A_809 = arith.index_cast %scan3A_805 : i32 to index
      %swap3A_810 = arith.constant 0 : index
      %swap3A_811 = tpu.vector_load %arg34[%swap3A_809, %swap3A_810] {strides = array<i32>} : memref<17x128xf32, #tpu.memory_space<vmem>>, vector<16xf32>,
      tpu.vector_store %arg34[%swap3A_809, %swap3A_810], %broadcast_in_dim3A_808 {strides = array<i32>} : memref<17x128xf32, #tpu.memory_space<vmem>>, vector<16xf32>,
      %broadcast_in_dim3A_812 = arith.constant 0.000000e+00 : f32
      %broadcast_in_dim3A_813 = vector.broadcast %broadcast_in_dim3A_812 : f32 to vector<16xf32>
      %swap3A_814 = arith.index_cast %scan3A_805 : i32 to index
      %swap3A_815 = arith.constant 16 : index
      %swap3A_816 = tpu.vector_load %arg34[%swap3A_814, %swap3A_815] {strides = array<i32>} : memref<17x128xf32, #tpu.memory_space<vmem>>, vector<16xf32>,
      tpu.vector_store %arg34[%swap3A_814, %swap3A_815], %broadcast_in_dim3A_813 {strides = array<i32>} : memref<17x128xf32, #tpu.memory_space<vmem>>, vector<16xf32>,
      %broadcast_in_dim3A_817 = arith.constant 0.000000e+00 : f32
      %broadcast_in_dim3A_818 = vector.broadcast %broadcast_in_dim3A_817 : f32 to vector<16xf32>
      %swap3A_819 = arith.index_cast %scan3A_805 : i32 to index
      %swap3A_820 = arith.constant 32 : index
      %swap3A_821 = tpu.vector_load %arg34[%swap3A_819, %swap3A_820] {strides = array<i32>} : memref<17x128xf32, #tpu.memory_space<vmem>>, vector<16xf32>,
      tpu.vector_store %arg34[%swap3A_819, %swap3A_820], %broadcast_in_dim3A_818 {strides = array<i32>} : memref<17x128xf32, #tpu.memory_space<vmem>>, vector<16xf32>,
      %broadcast_in_dim3A_822 = arith.constant 0.000000e+00 : f32
      %broadcast_in_dim3A_823 = vector.broadcast %broadcast_in_dim3A_822 : f32 to vector<16xf32>
      %swap3A_824 = arith.index_cast %scan3A_805 : i32 to index
      %swap3A_825 = arith.constant 48 : index
      %swap3A_826 = tpu.vector_load %arg34[%swap3A_824, %swap3A_825] {strides = array<i32>} : memref<17x128xf32, #tpu.memory_space<vmem>>, vector<16xf32>,
      tpu.vector_store %arg34[%swap3A_824, %swap3A_825], %broadcast_in_dim3A_823 {strides = array<i32>} : memref<17x128xf32, #tpu.memory_space<vmem>>, vector<16xf32>,
      %broadcast_in_dim3A_827 = arith.constant 0.000000e+00 : f32
      %broadcast_in_dim3A_828 = vector.broadcast %broadcast_in_dim3A_827 : f32 to vector<16xf32>
      %swap3A_829 = arith.index_cast %scan3A_805 : i32 to index
      %swap3A_830 = arith.constant 64 : index
      %swap3A_831 = tpu.vector_load %arg34[%swap3A_829, %swap3A_830] {strides = array<i32>} : memref<17x128xf32, #tpu.memory_space<vmem>>, vector<16xf32>,
      tpu.vector_store %arg34[%swap3A_829, %swap3A_830], %broadcast_in_dim3A_828 {strides = array<i32>} : memref<17x128xf32, #tpu.memory_space<vmem>>, vector<16xf32>,
      %broadcast_in_dim3A_832 = arith.constant 0.000000e+00 : f32
      %broadcast_in_dim3A_833 = vector.broadcast %broadcast_in_dim3A_832 : f32 to vector<16xf32>
      %swap3A_834 = arith.index_cast %scan3A_805 : i32 to index
      %swap3A_835 = arith.constant 80 : index
      %swap3A_836 = tpu.vector_load %arg34[%swap3A_834, %swap3A_835] {strides = array<i32>} : memref<17x128xf32, #tpu.memory_space<vmem>>, vector<16xf32>,
      tpu.vector_store %arg34[%swap3A_834, %swap3A_835], %broadcast_in_dim3A_833 {strides = array<i32>} : memref<17x128xf32, #tpu.memory_space<vmem>>, vector<16xf32>,
      %broadcast_in_dim3A_837 = arith.constant 0.000000e+00 : f32
      %broadcast_in_dim3A_838 = vector.broadcast %broadcast_in_dim3A_837 : f32 to vector<16xf32>
      %swap3A_839 = arith.index_cast %scan3A_805 : i32 to index
      %swap3A_840 = arith.constant 96 : index
      %swap3A_841 = tpu.vector_load %arg34[%swap3A_839, %swap3A_840] {strides = array<i32>} : memref<17x128xf32, #tpu.memory_space<vmem>>, vector<16xf32>,
      tpu.vector_store %arg34[%swap3A_839, %swap3A_840], %broadcast_in_dim3A_838 {strides = array<i32>} : memref<17x128xf32, #tpu.memory_space<vmem>>, vector<16xf32>,
      %broadcast_in_dim3A_842 = arith.constant 0.000000e+00 : f32
      %broadcast_in_dim3A_843 = vector.broadcast %broadcast_in_dim3A_842 : f32 to vector<16xf32>
      %swap3A_844 = arith.index_cast %scan3A_805 : i32 to index
      %swap3A_845 = arith.constant 112 : index
      %swap3A_846 = tpu.vector_load %arg34[%swap3A_844, %swap3A_845] {strides = array<i32>} : memref<17x128xf32, #tpu.memory_space<vmem>>, vector<16xf32>,
      tpu.vector_store %arg34[%swap3A_844, %swap3A_845], %broadcast_in_dim3A_843 {strides = array<i32>} : memref<17x128xf32, #tpu.memory_space<vmem>>, vector<16xf32>,
      %scan3A_847 = arith.constant 0 : i32
      scf.yield %scan3A_847 : i32
    }
    %scan3A_106 = arith.constant 17 : i32
    %mul3A_107 = arith.constant 17 : i32
    %mul3A_108 = arith.muli %arg1, %mul3A_107 : i32
    "tpu.region"() ({
      %run_scoped3A = tpu.sem_alloc : memref<!tpu.dma_semaphore, #tpu.memory_space<semaphore_mem>>
      %dma_start3A_805 = arith.constant 0 : i32
      %dma_start3A_806 = tpu.memref_slice %arg38[%mul3A_108, %dma_start3A_805] : memref<272x128xf32, #tpu.memory_space<vmem_shared>> -> memref<17x128xf32, #tpu.memory_space<vmem_shared>>
      %dma_start3A_807 = arith.constant 0 : i32
      %dma_start3A_808 = tpu.memref_slice %arg38[%mul3A_108, %dma_start3A_807] : memref<272x128xf32, #tpu.memory_space<vmem_shared>> -> memref<17x128xf32, #tpu.memory_space<vmem_shared>>
      tpu.enqueue_dma source(%arg34 : memref<17x128xf32, #tpu.memory_space<vmem>>) target(%dma_start3A_808 : memref<17x128xf32, #tpu.memory_space<vmem_shared>>) target_semaphore(%run_scoped3A : memref<!tpu.dma_semaphore, #tpu.memory_space<semaphore_mem>>)
      %dma_wait3A_809 = arith.constant 0 : i32
      %dma_wait3A_810 = tpu.memref_slice %arg38[%mul3A_108, %dma_wait3A_809] : memref<272x128xf32, #tpu.memory_space<vmem_shared>> -> memref<17x128xf32, #tpu.memory_space<vmem_shared>>
      %dma_wait3A_811 = arith.constant 0 : i32
      %dma_wait3A_812 = tpu.memref_slice %arg38[%mul3A_108, %dma_wait3A_811] : memref<272x128xf32, #tpu.memory_space<vmem_shared>> -> memref<17x128xf32, #tpu.memory_space<vmem_shared>>
      tpu.wait_dma2 semaphore(%run_scoped3A : memref<!tpu.dma_semaphore, #tpu.memory_space<semaphore_mem>>) src(%arg34 : memref<17x128xf32, #tpu.memory_space<vmem>>) dst(%dma_wait3A_812 : memref<17x128xf32, #tpu.memory_space<vmem_shared>>)
      tpu.yield
    }) : () -> ()
    %broadcast_in_dim3A = arith.constant 0 : i32
    %broadcast_in_dim3A_109 = vector.broadcast %broadcast_in_dim3A : i32 to vector<16xi32>
    %swap3A = arith.constant 0 : index
    %swap3A_110 = tpu.vector_load %arg32[%swap3A] {strides = array<i32>} : memref<80xi32, #tpu.memory_space<vmem>>, vector<16xi32>,
    tpu.vector_store %arg32[%swap3A], %broadcast_in_dim3A_109 {strides = array<i32>} : memref<80xi32, #tpu.memory_space<vmem>>, vector<16xi32>,
    %broadcast_in_dim3A_111 = arith.constant 0 : i32
    %broadcast_in_dim3A_112 = vector.broadcast %broadcast_in_dim3A_111 : i32 to vector<16xi32>
    %swap3A_113 = arith.constant 16 : index
    %swap3A_114 = tpu.vector_load %arg32[%swap3A_113] {strides = array<i32>} : memref<80xi32, #tpu.memory_space<vmem>>, vector<16xi32>,
    tpu.vector_store %arg32[%swap3A_113], %broadcast_in_dim3A_112 {strides = array<i32>} : memref<80xi32, #tpu.memory_space<vmem>>, vector<16xi32>,
    %broadcast_in_dim3A_115 = arith.constant 0 : i32
    %broadcast_in_dim3A_116 = vector.broadcast %broadcast_in_dim3A_115 : i32 to vector<16xi32>
    %swap3A_117 = arith.constant 32 : index
    %swap3A_118 = tpu.vector_load %arg32[%swap3A_117] {strides = array<i32>} : memref<80xi32, #tpu.memory_space<vmem>>, vector<16xi32>,
    tpu.vector_store %arg32[%swap3A_117], %broadcast_in_dim3A_116 {strides = array<i32>} : memref<80xi32, #tpu.memory_space<vmem>>, vector<16xi32>,
    %broadcast_in_dim3A_119 = arith.constant 0 : i32
    %broadcast_in_dim3A_120 = vector.broadcast %broadcast_in_dim3A_119 : i32 to vector<16xi32>
    %swap3A_121 = arith.constant 48 : index
    %swap3A_122 = tpu.vector_load %arg32[%swap3A_121] {strides = array<i32>} : memref<80xi32, #tpu.memory_space<vmem>>, vector<16xi32>,
    tpu.vector_store %arg32[%swap3A_121], %broadcast_in_dim3A_120 {strides = array<i32>} : memref<80xi32, #tpu.memory_space<vmem>>, vector<16xi32>,
    %broadcast_in_dim3A_123 = arith.constant 0 : i32
    %broadcast_in_dim3A_124 = vector.broadcast %broadcast_in_dim3A_123 : i32 to vector<16xi32>
    %swap3A_125 = arith.constant 64 : index
    %swap3A_126 = tpu.vector_load %arg32[%swap3A_125] {strides = array<i32>} : memref<80xi32, #tpu.memory_space<vmem>>, vector<16xi32>,
    tpu.vector_store %arg32[%swap3A_125], %broadcast_in_dim3A_124 {strides = array<i32>} : memref<80xi32, #tpu.memory_space<vmem>>, vector<16xi32>,
    %dma_wait3A = tpu.memref_slice %arg3[%add3A_35] : memref<16384xi32, #tpu.memory_space<hbm>> -> memref<512xi32, #tpu.memory_space<hbm>>
    %dma_wait3A_127 = tpu.memref_slice %arg3[%add3A_35] : memref<16384xi32, #tpu.memory_space<hbm>> -> memref<512xi32, #tpu.memory_space<hbm>>
    tpu.wait_dma2 semaphore(%arg37 : memref<!tpu.dma_semaphore, #tpu.memory_space<semaphore_mem>>) src(%dma_wait3A_127 : memref<512xi32, #tpu.memory_space<hbm>>) dst(%arg30 : memref<512xi32, #tpu.memory_space<vmem>>)
    %mul3A_128 = arith.constant 68 : i32
    %mul3A_129 = arith.muli %select_n3A, %mul3A_128 : i32
    %broadcast_in_dim3A_130 = arith.constant 1 : i32
    %broadcast_in_dim3A_131 = vector.broadcast %broadcast_in_dim3A_130 : i32 to vector<16xi32>
    %get3A = arith.constant 0 : index
    %get3A_132 = tpu.vector_load %arg30[%get3A] {strides = array<i32>} : memref<512xi32, #tpu.memory_space<vmem>>, vector<16xi32>,
    %lt3A_133 = arith.constant 0 : i32
    %lt3A_134 = vector.broadcast %lt3A_133 : i32 to vector<16xi32>
    %lt3A_135 = arith.cmpi slt, %get3A_132, %lt3A_134 : vector<16xi32>
    %jit3A_136 = arith.constant 64 : i32
    %broadcast_in_dim3A_137 = vector.broadcast %jit3A_136 : i32 to vector<16xi32>
    %select_n3A_138 = arith.select %lt3A_135, %broadcast_in_dim3A_137, %get3A_132 : vector<16xi1>, vector<16xi32>
    %add3A_139 = vector.broadcast %mul3A_129 : i32 to vector<16xi32>
    %add3A_140 = arith.addi %select_n3A_138, %add3A_139 : vector<16xi32>
    %swap3A_141 = arith.constant 0 : i32
    %swap3A_142 = arith.index_cast %swap3A_141 : i32 to index
    %swap3A_143 = arith.constant 0 : index
    %swap3A_144 = tpu.vector_load %arg31[%swap3A_142, %swap3A_143] {strides = array<i32>} : memref<8x64xi32, #tpu.memory_space<vmem>>, vector<16xi32>,
    tpu.vector_store %arg31[%swap3A_142, %swap3A_143], %add3A_140 {strides = array<i32>} : memref<8x64xi32, #tpu.memory_space<vmem>>, vector<16xi32>,
    tpu.vector_store_idx %arg32[%select_n3A_138], %broadcast_in_dim3A_131 : memref<80xi32, #tpu.memory_space<vmem>>[vector<16xi32>], vector<16xi32>,
    %get3A_145 = arith.constant 16 : index
    %get3A_146 = tpu.vector_load %arg30[%get3A_145] {strides = array<i32>} : memref<512xi32, #tpu.memory_space<vmem>>, vector<16xi32>,
    %lt3A_147 = arith.constant 0 : i32
    %lt3A_148 = vector.broadcast %lt3A_147 : i32 to vector<16xi32>
    %lt3A_149 = arith.cmpi slt, %get3A_146, %lt3A_148 : vector<16xi32>
    %jit3A_150 = arith.constant 64 : i32
    %broadcast_in_dim3A_151 = vector.broadcast %jit3A_150 : i32 to vector<16xi32>
    %select_n3A_152 = arith.select %lt3A_149, %broadcast_in_dim3A_151, %get3A_146 : vector<16xi1>, vector<16xi32>
    %add3A_153 = vector.broadcast %mul3A_129 : i32 to vector<16xi32>
    %add3A_154 = arith.addi %select_n3A_152, %add3A_153 : vector<16xi32>
    %swap3A_155 = arith.constant 0 : i32
    %swap3A_156 = arith.index_cast %swap3A_155 : i32 to index
    %swap3A_157 = arith.constant 16 : index
    %swap3A_158 = tpu.vector_load %arg31[%swap3A_156, %swap3A_157] {strides = array<i32>} : memref<8x64xi32, #tpu.memory_space<vmem>>, vector<16xi32>,
    tpu.vector_store %arg31[%swap3A_156, %swap3A_157], %add3A_154 {strides = array<i32>} : memref<8x64xi32, #tpu.memory_space<vmem>>, vector<16xi32>,
    tpu.vector_store_idx %arg32[%select_n3A_152], %broadcast_in_dim3A_131 : memref<80xi32, #tpu.memory_space<vmem>>[vector<16xi32>], vector<16xi32>,
    %get3A_159 = arith.constant 32 : index
    %get3A_160 = tpu.vector_load %arg30[%get3A_159] {strides = array<i32>} : memref<512xi32, #tpu.memory_space<vmem>>, vector<16xi32>,
    %lt3A_161 = arith.constant 0 : i32
    %lt3A_162 = vector.broadcast %lt3A_161 : i32 to vector<16xi32>
    %lt3A_163 = arith.cmpi slt, %get3A_160, %lt3A_162 : vector<16xi32>
    %jit3A_164 = arith.constant 64 : i32
    %broadcast_in_dim3A_165 = vector.broadcast %jit3A_164 : i32 to vector<16xi32>
    %select_n3A_166 = arith.select %lt3A_163, %broadcast_in_dim3A_165, %get3A_160 : vector<16xi1>, vector<16xi32>
    %add3A_167 = vector.broadcast %mul3A_129 : i32 to vector<16xi32>
    %add3A_168 = arith.addi %select_n3A_166, %add3A_167 : vector<16xi32>
    %swap3A_169 = arith.constant 0 : i32
    %swap3A_170 = arith.index_cast %swap3A_169 : i32 to index
    %swap3A_171 = arith.constant 32 : index
    %swap3A_172 = tpu.vector_load %arg31[%swap3A_170, %swap3A_171] {strides = array<i32>} : memref<8x64xi32, #tpu.memory_space<vmem>>, vector<16xi32>,
    tpu.vector_store %arg31[%swap3A_170, %swap3A_171], %add3A_168 {strides = array<i32>} : memref<8x64xi32, #tpu.memory_space<vmem>>, vector<16xi32>,
    tpu.vector_store_idx %arg32[%select_n3A_166], %broadcast_in_dim3A_131 : memref<80xi32, #tpu.memory_space<vmem>>[vector<16xi32>], vector<16xi32>,
    %get3A_173 = arith.constant 48 : index
    %get3A_174 = tpu.vector_load %arg30[%get3A_173] {strides = array<i32>} : memref<512xi32, #tpu.memory_space<vmem>>, vector<16xi32>,
    %lt3A_175 = arith.constant 0 : i32
    %lt3A_176 = vector.broadcast %lt3A_175 : i32 to vector<16xi32>
    %lt3A_177 = arith.cmpi slt, %get3A_174, %lt3A_176 : vector<16xi32>
    %jit3A_178 = arith.constant 64 : i32
    %broadcast_in_dim3A_179 = vector.broadcast %jit3A_178 : i32 to vector<16xi32>
    %select_n3A_180 = arith.select %lt3A_177, %broadcast_in_dim3A_179, %get3A_174 : vector<16xi1>, vector<16xi32>
    %add3A_181 = vector.broadcast %mul3A_129 : i32 to vector<16xi32>
    %add3A_182 = arith.addi %select_n3A_180, %add3A_181 : vector<16xi32>
    %swap3A_183 = arith.constant 0 : i32
    %swap3A_184 = arith.index_cast %swap3A_183 : i32 to index
    %swap3A_185 = arith.constant 48 : index
    %swap3A_186 = tpu.vector_load %arg31[%swap3A_184, %swap3A_185] {strides = array<i32>} : memref<8x64xi32, #tpu.memory_space<vmem>>, vector<16xi32>,
    tpu.vector_store %arg31[%swap3A_184, %swap3A_185], %add3A_182 {strides = array<i32>} : memref<8x64xi32, #tpu.memory_space<vmem>>, vector<16xi32>,
    tpu.vector_store_idx %arg32[%select_n3A_180], %broadcast_in_dim3A_131 : memref<80xi32, #tpu.memory_space<vmem>>[vector<16xi32>], vector<16xi32>,
    %get3A_187 = arith.constant 64 : index
    %get3A_188 = tpu.vector_load %arg30[%get3A_187] {strides = array<i32>} : memref<512xi32, #tpu.memory_space<vmem>>, vector<16xi32>,
    %lt3A_189 = arith.constant 0 : i32
    %lt3A_190 = vector.broadcast %lt3A_189 : i32 to vector<16xi32>
    %lt3A_191 = arith.cmpi slt, %get3A_188, %lt3A_190 : vector<16xi32>
    %jit3A_192 = arith.constant 64 : i32
    %broadcast_in_dim3A_193 = vector.broadcast %jit3A_192 : i32 to vector<16xi32>
    %select_n3A_194 = arith.select %lt3A_191, %broadcast_in_dim3A_193, %get3A_188 : vector<16xi1>, vector<16xi32>
    %add3A_195 = vector.broadcast %mul3A_129 : i32 to vector<16xi32>
    %add3A_196 = arith.addi %select_n3A_194, %add3A_195 : vector<16xi32>
    %swap3A_197 = arith.constant 1 : i32
    %swap3A_198 = arith.index_cast %swap3A_197 : i32 to index
    %swap3A_199 = arith.constant 0 : index
    %swap3A_200 = tpu.vector_load %arg31[%swap3A_198, %swap3A_199] {strides = array<i32>} : memref<8x64xi32, #tpu.memory_space<vmem>>, vector<16xi32>,
    tpu.vector_store %arg31[%swap3A_198, %swap3A_199], %add3A_196 {strides = array<i32>} : memref<8x64xi32, #tpu.memory_space<vmem>>, vector<16xi32>,
    tpu.vector_store_idx %arg32[%select_n3A_194], %broadcast_in_dim3A_131 : memref<80xi32, #tpu.memory_space<vmem>>[vector<16xi32>], vector<16xi32>,
    %get3A_201 = arith.constant 80 : index
    %get3A_202 = tpu.vector_load %arg30[%get3A_201] {strides = array<i32>} : memref<512xi32, #tpu.memory_space<vmem>>, vector<16xi32>,
    %lt3A_203 = arith.constant 0 : i32
    %lt3A_204 = vector.broadcast %lt3A_203 : i32 to vector<16xi32>
    %lt3A_205 = arith.cmpi slt, %get3A_202, %lt3A_204 : vector<16xi32>
    %jit3A_206 = arith.constant 64 : i32
    %broadcast_in_dim3A_207 = vector.broadcast %jit3A_206 : i32 to vector<16xi32>
    %select_n3A_208 = arith.select %lt3A_205, %broadcast_in_dim3A_207, %get3A_202 : vector<16xi1>, vector<16xi32>
    %add3A_209 = vector.broadcast %mul3A_129 : i32 to vector<16xi32>
    %add3A_210 = arith.addi %select_n3A_208, %add3A_209 : vector<16xi32>
    %swap3A_211 = arith.constant 1 : i32
    %swap3A_212 = arith.index_cast %swap3A_211 : i32 to index
    %swap3A_213 = arith.constant 16 : index
    %swap3A_214 = tpu.vector_load %arg31[%swap3A_212, %swap3A_213] {strides = array<i32>} : memref<8x64xi32, #tpu.memory_space<vmem>>, vector<16xi32>,
    tpu.vector_store %arg31[%swap3A_212, %swap3A_213], %add3A_210 {strides = array<i32>} : memref<8x64xi32, #tpu.memory_space<vmem>>, vector<16xi32>,
    tpu.vector_store_idx %arg32[%select_n3A_208], %broadcast_in_dim3A_131 : memref<80xi32, #tpu.memory_space<vmem>>[vector<16xi32>], vector<16xi32>,
    %get3A_215 = arith.constant 96 : index
    %get3A_216 = tpu.vector_load %arg30[%get3A_215] {strides = array<i32>} : memref<512xi32, #tpu.memory_space<vmem>>, vector<16xi32>,
    %lt3A_217 = arith.constant 0 : i32
    %lt3A_218 = vector.broadcast %lt3A_217 : i32 to vector<16xi32>
    %lt3A_219 = arith.cmpi slt, %get3A_216, %lt3A_218 : vector<16xi32>
    %jit3A_220 = arith.constant 64 : i32
    %broadcast_in_dim3A_221 = vector.broadcast %jit3A_220 : i32 to vector<16xi32>
    %select_n3A_222 = arith.select %lt3A_219, %broadcast_in_dim3A_221, %get3A_216 : vector<16xi1>, vector<16xi32>
    %add3A_223 = vector.broadcast %mul3A_129 : i32 to vector<16xi32>
    %add3A_224 = arith.addi %select_n3A_222, %add3A_223 : vector<16xi32>
    %swap3A_225 = arith.constant 1 : i32
    %swap3A_226 = arith.index_cast %swap3A_225 : i32 to index
    %swap3A_227 = arith.constant 32 : index
    %swap3A_228 = tpu.vector_load %arg31[%swap3A_226, %swap3A_227] {strides = array<i32>} : memref<8x64xi32, #tpu.memory_space<vmem>>, vector<16xi32>,
    tpu.vector_store %arg31[%swap3A_226, %swap3A_227], %add3A_224 {strides = array<i32>} : memref<8x64xi32, #tpu.memory_space<vmem>>, vector<16xi32>,
    tpu.vector_store_idx %arg32[%select_n3A_222], %broadcast_in_dim3A_131 : memref<80xi32, #tpu.memory_space<vmem>>[vector<16xi32>], vector<16xi32>,
    %get3A_229 = arith.constant 112 : index
    %get3A_230 = tpu.vector_load %arg30[%get3A_229] {strides = array<i32>} : memref<512xi32, #tpu.memory_space<vmem>>, vector<16xi32>,
    %lt3A_231 = arith.constant 0 : i32
    %lt3A_232 = vector.broadcast %lt3A_231 : i32 to vector<16xi32>
    %lt3A_233 = arith.cmpi slt, %get3A_230, %lt3A_232 : vector<16xi32>
    %jit3A_234 = arith.constant 64 : i32
    %broadcast_in_dim3A_235 = vector.broadcast %jit3A_234 : i32 to vector<16xi32>
    %select_n3A_236 = arith.select %lt3A_233, %broadcast_in_dim3A_235, %get3A_230 : vector<16xi1>, vector<16xi32>
    %add3A_237 = vector.broadcast %mul3A_129 : i32 to vector<16xi32>
    %add3A_238 = arith.addi %select_n3A_236, %add3A_237 : vector<16xi32>
    %swap3A_239 = arith.constant 1 : i32
    %swap3A_240 = arith.index_cast %swap3A_239 : i32 to index
    %swap3A_241 = arith.constant 48 : index
    %swap3A_242 = tpu.vector_load %arg31[%swap3A_240, %swap3A_241] {strides = array<i32>} : memref<8x64xi32, #tpu.memory_space<vmem>>, vector<16xi32>,
    tpu.vector_store %arg31[%swap3A_240, %swap3A_241], %add3A_238 {strides = array<i32>} : memref<8x64xi32, #tpu.memory_space<vmem>>, vector<16xi32>,
    tpu.vector_store_idx %arg32[%select_n3A_236], %broadcast_in_dim3A_131 : memref<80xi32, #tpu.memory_space<vmem>>[vector<16xi32>], vector<16xi32>,
    %get3A_243 = arith.constant 128 : index
    %get3A_244 = tpu.vector_load %arg30[%get3A_243] {strides = array<i32>} : memref<512xi32, #tpu.memory_space<vmem>>, vector<16xi32>,
    %lt3A_245 = arith.constant 0 : i32
    %lt3A_246 = vector.broadcast %lt3A_245 : i32 to vector<16xi32>
    %lt3A_247 = arith.cmpi slt, %get3A_244, %lt3A_246 : vector<16xi32>
    %jit3A_248 = arith.constant 64 : i32
    %broadcast_in_dim3A_249 = vector.broadcast %jit3A_248 : i32 to vector<16xi32>
    %select_n3A_250 = arith.select %lt3A_247, %broadcast_in_dim3A_249, %get3A_244 : vector<16xi1>, vector<16xi32>
    %add3A_251 = vector.broadcast %mul3A_129 : i32 to vector<16xi32>
    %add3A_252 = arith.addi %select_n3A_250, %add3A_251 : vector<16xi32>
    %swap3A_253 = arith.constant 2 : i32
    %swap3A_254 = arith.index_cast %swap3A_253 : i32 to index
    %swap3A_255 = arith.constant 0 : index
    %swap3A_256 = tpu.vector_load %arg31[%swap3A_254, %swap3A_255] {strides = array<i32>} : memref<8x64xi32, #tpu.memory_space<vmem>>, vector<16xi32>,
    tpu.vector_store %arg31[%swap3A_254, %swap3A_255], %add3A_252 {strides = array<i32>} : memref<8x64xi32, #tpu.memory_space<vmem>>, vector<16xi32>,
    tpu.vector_store_idx %arg32[%select_n3A_250], %broadcast_in_dim3A_131 : memref<80xi32, #tpu.memory_space<vmem>>[vector<16xi32>], vector<16xi32>,
    %get3A_257 = arith.constant 144 : index
    %get3A_258 = tpu.vector_load %arg30[%get3A_257] {strides = array<i32>} : memref<512xi32, #tpu.memory_space<vmem>>, vector<16xi32>,
    %lt3A_259 = arith.constant 0 : i32
    %lt3A_260 = vector.broadcast %lt3A_259 : i32 to vector<16xi32>
    %lt3A_261 = arith.cmpi slt, %get3A_258, %lt3A_260 : vector<16xi32>
    %jit3A_262 = arith.constant 64 : i32
    %broadcast_in_dim3A_263 = vector.broadcast %jit3A_262 : i32 to vector<16xi32>
    %select_n3A_264 = arith.select %lt3A_261, %broadcast_in_dim3A_263, %get3A_258 : vector<16xi1>, vector<16xi32>
    %add3A_265 = vector.broadcast %mul3A_129 : i32 to vector<16xi32>
    %add3A_266 = arith.addi %select_n3A_264, %add3A_265 : vector<16xi32>
    %swap3A_267 = arith.constant 2 : i32
    %swap3A_268 = arith.index_cast %swap3A_267 : i32 to index
    %swap3A_269 = arith.constant 16 : index
    %swap3A_270 = tpu.vector_load %arg31[%swap3A_268, %swap3A_269] {strides = array<i32>} : memref<8x64xi32, #tpu.memory_space<vmem>>, vector<16xi32>,
    tpu.vector_store %arg31[%swap3A_268, %swap3A_269], %add3A_266 {strides = array<i32>} : memref<8x64xi32, #tpu.memory_space<vmem>>, vector<16xi32>,
    tpu.vector_store_idx %arg32[%select_n3A_264], %broadcast_in_dim3A_131 : memref<80xi32, #tpu.memory_space<vmem>>[vector<16xi32>], vector<16xi32>,
    %get3A_271 = arith.constant 160 : index
    %get3A_272 = tpu.vector_load %arg30[%get3A_271] {strides = array<i32>} : memref<512xi32, #tpu.memory_space<vmem>>, vector<16xi32>,
    %lt3A_273 = arith.constant 0 : i32
    %lt3A_274 = vector.broadcast %lt3A_273 : i32 to vector<16xi32>
    %lt3A_275 = arith.cmpi slt, %get3A_272, %lt3A_274 : vector<16xi32>
    %jit3A_276 = arith.constant 64 : i32
    %broadcast_in_dim3A_277 = vector.broadcast %jit3A_276 : i32 to vector<16xi32>
    %select_n3A_278 = arith.select %lt3A_275, %broadcast_in_dim3A_277, %get3A_272 : vector<16xi1>, vector<16xi32>
    %add3A_279 = vector.broadcast %mul3A_129 : i32 to vector<16xi32>
    %add3A_280 = arith.addi %select_n3A_278, %add3A_279 : vector<16xi32>
    %swap3A_281 = arith.constant 2 : i32
    %swap3A_282 = arith.index_cast %swap3A_281 : i32 to index
    %swap3A_283 = arith.constant 32 : index
    %swap3A_284 = tpu.vector_load %arg31[%swap3A_282, %swap3A_283] {strides = array<i32>} : memref<8x64xi32, #tpu.memory_space<vmem>>, vector<16xi32>,
    tpu.vector_store %arg31[%swap3A_282, %swap3A_283], %add3A_280 {strides = array<i32>} : memref<8x64xi32, #tpu.memory_space<vmem>>, vector<16xi32>,
    tpu.vector_store_idx %arg32[%select_n3A_278], %broadcast_in_dim3A_131 : memref<80xi32, #tpu.memory_space<vmem>>[vector<16xi32>], vector<16xi32>,
    %get3A_285 = arith.constant 176 : index
    %get3A_286 = tpu.vector_load %arg30[%get3A_285] {strides = array<i32>} : memref<512xi32, #tpu.memory_space<vmem>>, vector<16xi32>,
    %lt3A_287 = arith.constant 0 : i32
    %lt3A_288 = vector.broadcast %lt3A_287 : i32 to vector<16xi32>
    %lt3A_289 = arith.cmpi slt, %get3A_286, %lt3A_288 : vector<16xi32>
    %jit3A_290 = arith.constant 64 : i32
    %broadcast_in_dim3A_291 = vector.broadcast %jit3A_290 : i32 to vector<16xi32>
    %select_n3A_292 = arith.select %lt3A_289, %broadcast_in_dim3A_291, %get3A_286 : vector<16xi1>, vector<16xi32>
    %add3A_293 = vector.broadcast %mul3A_129 : i32 to vector<16xi32>
    %add3A_294 = arith.addi %select_n3A_292, %add3A_293 : vector<16xi32>
    %swap3A_295 = arith.constant 2 : i32
    %swap3A_296 = arith.index_cast %swap3A_295 : i32 to index
    %swap3A_297 = arith.constant 48 : index
    %swap3A_298 = tpu.vector_load %arg31[%swap3A_296, %swap3A_297] {strides = array<i32>} : memref<8x64xi32, #tpu.memory_space<vmem>>, vector<16xi32>,
    tpu.vector_store %arg31[%swap3A_296, %swap3A_297], %add3A_294 {strides = array<i32>} : memref<8x64xi32, #tpu.memory_space<vmem>>, vector<16xi32>,
    tpu.vector_store_idx %arg32[%select_n3A_292], %broadcast_in_dim3A_131 : memref<80xi32, #tpu.memory_space<vmem>>[vector<16xi32>], vector<16xi32>,
    %get3A_299 = arith.constant 192 : index
    %get3A_300 = tpu.vector_load %arg30[%get3A_299] {strides = array<i32>} : memref<512xi32, #tpu.memory_space<vmem>>, vector<16xi32>,
    %lt3A_301 = arith.constant 0 : i32
    %lt3A_302 = vector.broadcast %lt3A_301 : i32 to vector<16xi32>
    %lt3A_303 = arith.cmpi slt, %get3A_300, %lt3A_302 : vector<16xi32>
    %jit3A_304 = arith.constant 64 : i32
    %broadcast_in_dim3A_305 = vector.broadcast %jit3A_304 : i32 to vector<16xi32>
    %select_n3A_306 = arith.select %lt3A_303, %broadcast_in_dim3A_305, %get3A_300 : vector<16xi1>, vector<16xi32>
    %add3A_307 = vector.broadcast %mul3A_129 : i32 to vector<16xi32>
    %add3A_308 = arith.addi %select_n3A_306, %add3A_307 : vector<16xi32>
    %swap3A_309 = arith.constant 3 : i32
    %swap3A_310 = arith.index_cast %swap3A_309 : i32 to index
    %swap3A_311 = arith.constant 0 : index
    %swap3A_312 = tpu.vector_load %arg31[%swap3A_310, %swap3A_311] {strides = array<i32>} : memref<8x64xi32, #tpu.memory_space<vmem>>, vector<16xi32>,
    tpu.vector_store %arg31[%swap3A_310, %swap3A_311], %add3A_308 {strides = array<i32>} : memref<8x64xi32, #tpu.memory_space<vmem>>, vector<16xi32>,
    tpu.vector_store_idx %arg32[%select_n3A_306], %broadcast_in_dim3A_131 : memref<80xi32, #tpu.memory_space<vmem>>[vector<16xi32>], vector<16xi32>,
    %get3A_313 = arith.constant 208 : index
    %get3A_314 = tpu.vector_load %arg30[%get3A_313] {strides = array<i32>} : memref<512xi32, #tpu.memory_space<vmem>>, vector<16xi32>,
    %lt3A_315 = arith.constant 0 : i32
    %lt3A_316 = vector.broadcast %lt3A_315 : i32 to vector<16xi32>
    %lt3A_317 = arith.cmpi slt, %get3A_314, %lt3A_316 : vector<16xi32>
    %jit3A_318 = arith.constant 64 : i32
    %broadcast_in_dim3A_319 = vector.broadcast %jit3A_318 : i32 to vector<16xi32>
    %select_n3A_320 = arith.select %lt3A_317, %broadcast_in_dim3A_319, %get3A_314 : vector<16xi1>, vector<16xi32>
    %add3A_321 = vector.broadcast %mul3A_129 : i32 to vector<16xi32>
    %add3A_322 = arith.addi %select_n3A_320, %add3A_321 : vector<16xi32>
    %swap3A_323 = arith.constant 3 : i32
    %swap3A_324 = arith.index_cast %swap3A_323 : i32 to index
    %swap3A_325 = arith.constant 16 : index
    %swap3A_326 = tpu.vector_load %arg31[%swap3A_324, %swap3A_325] {strides = array<i32>} : memref<8x64xi32, #tpu.memory_space<vmem>>, vector<16xi32>,
    tpu.vector_store %arg31[%swap3A_324, %swap3A_325], %add3A_322 {strides = array<i32>} : memref<8x64xi32, #tpu.memory_space<vmem>>, vector<16xi32>,
    tpu.vector_store_idx %arg32[%select_n3A_320], %broadcast_in_dim3A_131 : memref<80xi32, #tpu.memory_space<vmem>>[vector<16xi32>], vector<16xi32>,
    %get3A_327 = arith.constant 224 : index
    %get3A_328 = tpu.vector_load %arg30[%get3A_327] {strides = array<i32>} : memref<512xi32, #tpu.memory_space<vmem>>, vector<16xi32>,
    %lt3A_329 = arith.constant 0 : i32
    %lt3A_330 = vector.broadcast %lt3A_329 : i32 to vector<16xi32>
    %lt3A_331 = arith.cmpi slt, %get3A_328, %lt3A_330 : vector<16xi32>
    %jit3A_332 = arith.constant 64 : i32
    %broadcast_in_dim3A_333 = vector.broadcast %jit3A_332 : i32 to vector<16xi32>
    %select_n3A_334 = arith.select %lt3A_331, %broadcast_in_dim3A_333, %get3A_328 : vector<16xi1>, vector<16xi32>
    %add3A_335 = vector.broadcast %mul3A_129 : i32 to vector<16xi32>
    %add3A_336 = arith.addi %select_n3A_334, %add3A_335 : vector<16xi32>
    %swap3A_337 = arith.constant 3 : i32
    %swap3A_338 = arith.index_cast %swap3A_337 : i32 to index
    %swap3A_339 = arith.constant 32 : index
    %swap3A_340 = tpu.vector_load %arg31[%swap3A_338, %swap3A_339] {strides = array<i32>} : memref<8x64xi32, #tpu.memory_space<vmem>>, vector<16xi32>,
    tpu.vector_store %arg31[%swap3A_338, %swap3A_339], %add3A_336 {strides = array<i32>} : memref<8x64xi32, #tpu.memory_space<vmem>>, vector<16xi32>,
    tpu.vector_store_idx %arg32[%select_n3A_334], %broadcast_in_dim3A_131 : memref<80xi32, #tpu.memory_space<vmem>>[vector<16xi32>], vector<16xi32>,
    %get3A_341 = arith.constant 240 : index
    %get3A_342 = tpu.vector_load %arg30[%get3A_341] {strides = array<i32>} : memref<512xi32, #tpu.memory_space<vmem>>, vector<16xi32>,
    %lt3A_343 = arith.constant 0 : i32
    %lt3A_344 = vector.broadcast %lt3A_343 : i32 to vector<16xi32>
    %lt3A_345 = arith.cmpi slt, %get3A_342, %lt3A_344 : vector<16xi32>
    %jit3A_346 = arith.constant 64 : i32
    %broadcast_in_dim3A_347 = vector.broadcast %jit3A_346 : i32 to vector<16xi32>
    %select_n3A_348 = arith.select %lt3A_345, %broadcast_in_dim3A_347, %get3A_342 : vector<16xi1>, vector<16xi32>
    %add3A_349 = vector.broadcast %mul3A_129 : i32 to vector<16xi32>
    %add3A_350 = arith.addi %select_n3A_348, %add3A_349 : vector<16xi32>
    %swap3A_351 = arith.constant 3 : i32
    %swap3A_352 = arith.index_cast %swap3A_351 : i32 to index
    %swap3A_353 = arith.constant 48 : index
    %swap3A_354 = tpu.vector_load %arg31[%swap3A_352, %swap3A_353] {strides = array<i32>} : memref<8x64xi32, #tpu.memory_space<vmem>>, vector<16xi32>,
    tpu.vector_store %arg31[%swap3A_352, %swap3A_353], %add3A_350 {strides = array<i32>} : memref<8x64xi32, #tpu.memory_space<vmem>>, vector<16xi32>,
    tpu.vector_store_idx %arg32[%select_n3A_348], %broadcast_in_dim3A_131 : memref<80xi32, #tpu.memory_space<vmem>>[vector<16xi32>], vector<16xi32>,
    %get3A_355 = arith.constant 256 : index
    %get3A_356 = tpu.vector_load %arg30[%get3A_355] {strides = array<i32>} : memref<512xi32, #tpu.memory_space<vmem>>, vector<16xi32>,
    %lt3A_357 = arith.constant 0 : i32
    %lt3A_358 = vector.broadcast %lt3A_357 : i32 to vector<16xi32>
    %lt3A_359 = arith.cmpi slt, %get3A_356, %lt3A_358 : vector<16xi32>
    %jit3A_360 = arith.constant 64 : i32
    %broadcast_in_dim3A_361 = vector.broadcast %jit3A_360 : i32 to vector<16xi32>
    %select_n3A_362 = arith.select %lt3A_359, %broadcast_in_dim3A_361, %get3A_356 : vector<16xi1>, vector<16xi32>
    %add3A_363 = vector.broadcast %mul3A_129 : i32 to vector<16xi32>
    %add3A_364 = arith.addi %select_n3A_362, %add3A_363 : vector<16xi32>
    %swap3A_365 = arith.constant 4 : i32
    %swap3A_366 = arith.index_cast %swap3A_365 : i32 to index
    %swap3A_367 = arith.constant 0 : index
    %swap3A_368 = tpu.vector_load %arg31[%swap3A_366, %swap3A_367] {strides = array<i32>} : memref<8x64xi32, #tpu.memory_space<vmem>>, vector<16xi32>,
    tpu.vector_store %arg31[%swap3A_366, %swap3A_367], %add3A_364 {strides = array<i32>} : memref<8x64xi32, #tpu.memory_space<vmem>>, vector<16xi32>,
    tpu.vector_store_idx %arg32[%select_n3A_362], %broadcast_in_dim3A_131 : memref<80xi32, #tpu.memory_space<vmem>>[vector<16xi32>], vector<16xi32>,
    %get3A_369 = arith.constant 272 : index
    %get3A_370 = tpu.vector_load %arg30[%get3A_369] {strides = array<i32>} : memref<512xi32, #tpu.memory_space<vmem>>, vector<16xi32>,
    %lt3A_371 = arith.constant 0 : i32
    %lt3A_372 = vector.broadcast %lt3A_371 : i32 to vector<16xi32>
    %lt3A_373 = arith.cmpi slt, %get3A_370, %lt3A_372 : vector<16xi32>
    %jit3A_374 = arith.constant 64 : i32
    %broadcast_in_dim3A_375 = vector.broadcast %jit3A_374 : i32 to vector<16xi32>
    %select_n3A_376 = arith.select %lt3A_373, %broadcast_in_dim3A_375, %get3A_370 : vector<16xi1>, vector<16xi32>
    %add3A_377 = vector.broadcast %mul3A_129 : i32 to vector<16xi32>
    %add3A_378 = arith.addi %select_n3A_376, %add3A_377 : vector<16xi32>
    %swap3A_379 = arith.constant 4 : i32
    %swap3A_380 = arith.index_cast %swap3A_379 : i32 to index
    %swap3A_381 = arith.constant 16 : index
    %swap3A_382 = tpu.vector_load %arg31[%swap3A_380, %swap3A_381] {strides = array<i32>} : memref<8x64xi32, #tpu.memory_space<vmem>>, vector<16xi32>,
    tpu.vector_store %arg31[%swap3A_380, %swap3A_381], %add3A_378 {strides = array<i32>} : memref<8x64xi32, #tpu.memory_space<vmem>>, vector<16xi32>,
    tpu.vector_store_idx %arg32[%select_n3A_376], %broadcast_in_dim3A_131 : memref<80xi32, #tpu.memory_space<vmem>>[vector<16xi32>], vector<16xi32>,
    %get3A_383 = arith.constant 288 : index
    %get3A_384 = tpu.vector_load %arg30[%get3A_383] {strides = array<i32>} : memref<512xi32, #tpu.memory_space<vmem>>, vector<16xi32>,
    %lt3A_385 = arith.constant 0 : i32
    %lt3A_386 = vector.broadcast %lt3A_385 : i32 to vector<16xi32>
    %lt3A_387 = arith.cmpi slt, %get3A_384, %lt3A_386 : vector<16xi32>
    %jit3A_388 = arith.constant 64 : i32
    %broadcast_in_dim3A_389 = vector.broadcast %jit3A_388 : i32 to vector<16xi32>
    %select_n3A_390 = arith.select %lt3A_387, %broadcast_in_dim3A_389, %get3A_384 : vector<16xi1>, vector<16xi32>
    %add3A_391 = vector.broadcast %mul3A_129 : i32 to vector<16xi32>
    %add3A_392 = arith.addi %select_n3A_390, %add3A_391 : vector<16xi32>
    %swap3A_393 = arith.constant 4 : i32
    %swap3A_394 = arith.index_cast %swap3A_393 : i32 to index
    %swap3A_395 = arith.constant 32 : index
    %swap3A_396 = tpu.vector_load %arg31[%swap3A_394, %swap3A_395] {strides = array<i32>} : memref<8x64xi32, #tpu.memory_space<vmem>>, vector<16xi32>,
    tpu.vector_store %arg31[%swap3A_394, %swap3A_395], %add3A_392 {strides = array<i32>} : memref<8x64xi32, #tpu.memory_space<vmem>>, vector<16xi32>,
    tpu.vector_store_idx %arg32[%select_n3A_390], %broadcast_in_dim3A_131 : memref<80xi32, #tpu.memory_space<vmem>>[vector<16xi32>], vector<16xi32>,
    %get3A_397 = arith.constant 304 : index
    %get3A_398 = tpu.vector_load %arg30[%get3A_397] {strides = array<i32>} : memref<512xi32, #tpu.memory_space<vmem>>, vector<16xi32>,
    %lt3A_399 = arith.constant 0 : i32
    %lt3A_400 = vector.broadcast %lt3A_399 : i32 to vector<16xi32>
    %lt3A_401 = arith.cmpi slt, %get3A_398, %lt3A_400 : vector<16xi32>
    %jit3A_402 = arith.constant 64 : i32
    %broadcast_in_dim3A_403 = vector.broadcast %jit3A_402 : i32 to vector<16xi32>
    %select_n3A_404 = arith.select %lt3A_401, %broadcast_in_dim3A_403, %get3A_398 : vector<16xi1>, vector<16xi32>
    %add3A_405 = vector.broadcast %mul3A_129 : i32 to vector<16xi32>
    %add3A_406 = arith.addi %select_n3A_404, %add3A_405 : vector<16xi32>
    %swap3A_407 = arith.constant 4 : i32
    %swap3A_408 = arith.index_cast %swap3A_407 : i32 to index
    %swap3A_409 = arith.constant 48 : index
    %swap3A_410 = tpu.vector_load %arg31[%swap3A_408, %swap3A_409] {strides = array<i32>} : memref<8x64xi32, #tpu.memory_space<vmem>>, vector<16xi32>,
    tpu.vector_store %arg31[%swap3A_408, %swap3A_409], %add3A_406 {strides = array<i32>} : memref<8x64xi32, #tpu.memory_space<vmem>>, vector<16xi32>,
    tpu.vector_store_idx %arg32[%select_n3A_404], %broadcast_in_dim3A_131 : memref<80xi32, #tpu.memory_space<vmem>>[vector<16xi32>], vector<16xi32>,
    %get3A_411 = arith.constant 320 : index
    %get3A_412 = tpu.vector_load %arg30[%get3A_411] {strides = array<i32>} : memref<512xi32, #tpu.memory_space<vmem>>, vector<16xi32>,
    %lt3A_413 = arith.constant 0 : i32
    %lt3A_414 = vector.broadcast %lt3A_413 : i32 to vector<16xi32>
    %lt3A_415 = arith.cmpi slt, %get3A_412, %lt3A_414 : vector<16xi32>
    %jit3A_416 = arith.constant 64 : i32
    %broadcast_in_dim3A_417 = vector.broadcast %jit3A_416 : i32 to vector<16xi32>
    %select_n3A_418 = arith.select %lt3A_415, %broadcast_in_dim3A_417, %get3A_412 : vector<16xi1>, vector<16xi32>
    %add3A_419 = vector.broadcast %mul3A_129 : i32 to vector<16xi32>
    %add3A_420 = arith.addi %select_n3A_418, %add3A_419 : vector<16xi32>
    %swap3A_421 = arith.constant 5 : i32
    %swap3A_422 = arith.index_cast %swap3A_421 : i32 to index
    %swap3A_423 = arith.constant 0 : index
    %swap3A_424 = tpu.vector_load %arg31[%swap3A_422, %swap3A_423] {strides = array<i32>} : memref<8x64xi32, #tpu.memory_space<vmem>>, vector<16xi32>,
    tpu.vector_store %arg31[%swap3A_422, %swap3A_423], %add3A_420 {strides = array<i32>} : memref<8x64xi32, #tpu.memory_space<vmem>>, vector<16xi32>,
    tpu.vector_store_idx %arg32[%select_n3A_418], %broadcast_in_dim3A_131 : memref<80xi32, #tpu.memory_space<vmem>>[vector<16xi32>], vector<16xi32>,
    %get3A_425 = arith.constant 336 : index
    %get3A_426 = tpu.vector_load %arg30[%get3A_425] {strides = array<i32>} : memref<512xi32, #tpu.memory_space<vmem>>, vector<16xi32>,
    %lt3A_427 = arith.constant 0 : i32
    %lt3A_428 = vector.broadcast %lt3A_427 : i32 to vector<16xi32>
    %lt3A_429 = arith.cmpi slt, %get3A_426, %lt3A_428 : vector<16xi32>
    %jit3A_430 = arith.constant 64 : i32
    %broadcast_in_dim3A_431 = vector.broadcast %jit3A_430 : i32 to vector<16xi32>
    %select_n3A_432 = arith.select %lt3A_429, %broadcast_in_dim3A_431, %get3A_426 : vector<16xi1>, vector<16xi32>
    %add3A_433 = vector.broadcast %mul3A_129 : i32 to vector<16xi32>
    %add3A_434 = arith.addi %select_n3A_432, %add3A_433 : vector<16xi32>
    %swap3A_435 = arith.constant 5 : i32
    %swap3A_436 = arith.index_cast %swap3A_435 : i32 to index
    %swap3A_437 = arith.constant 16 : index
    %swap3A_438 = tpu.vector_load %arg31[%swap3A_436, %swap3A_437] {strides = array<i32>} : memref<8x64xi32, #tpu.memory_space<vmem>>, vector<16xi32>,
    tpu.vector_store %arg31[%swap3A_436, %swap3A_437], %add3A_434 {strides = array<i32>} : memref<8x64xi32, #tpu.memory_space<vmem>>, vector<16xi32>,
    tpu.vector_store_idx %arg32[%select_n3A_432], %broadcast_in_dim3A_131 : memref<80xi32, #tpu.memory_space<vmem>>[vector<16xi32>], vector<16xi32>,
    %get3A_439 = arith.constant 352 : index
    %get3A_440 = tpu.vector_load %arg30[%get3A_439] {strides = array<i32>} : memref<512xi32, #tpu.memory_space<vmem>>, vector<16xi32>,
    %lt3A_441 = arith.constant 0 : i32
    %lt3A_442 = vector.broadcast %lt3A_441 : i32 to vector<16xi32>
    %lt3A_443 = arith.cmpi slt, %get3A_440, %lt3A_442 : vector<16xi32>
    %jit3A_444 = arith.constant 64 : i32
    %broadcast_in_dim3A_445 = vector.broadcast %jit3A_444 : i32 to vector<16xi32>
    %select_n3A_446 = arith.select %lt3A_443, %broadcast_in_dim3A_445, %get3A_440 : vector<16xi1>, vector<16xi32>
    %add3A_447 = vector.broadcast %mul3A_129 : i32 to vector<16xi32>
    %add3A_448 = arith.addi %select_n3A_446, %add3A_447 : vector<16xi32>
    %swap3A_449 = arith.constant 5 : i32
    %swap3A_450 = arith.index_cast %swap3A_449 : i32 to index
    %swap3A_451 = arith.constant 32 : index
    %swap3A_452 = tpu.vector_load %arg31[%swap3A_450, %swap3A_451] {strides = array<i32>} : memref<8x64xi32, #tpu.memory_space<vmem>>, vector<16xi32>,
    tpu.vector_store %arg31[%swap3A_450, %swap3A_451], %add3A_448 {strides = array<i32>} : memref<8x64xi32, #tpu.memory_space<vmem>>, vector<16xi32>,
    tpu.vector_store_idx %arg32[%select_n3A_446], %broadcast_in_dim3A_131 : memref<80xi32, #tpu.memory_space<vmem>>[vector<16xi32>], vector<16xi32>,
    %get3A_453 = arith.constant 368 : index
    %get3A_454 = tpu.vector_load %arg30[%get3A_453] {strides = array<i32>} : memref<512xi32, #tpu.memory_space<vmem>>, vector<16xi32>,
    %lt3A_455 = arith.constant 0 : i32
    %lt3A_456 = vector.broadcast %lt3A_455 : i32 to vector<16xi32>
    %lt3A_457 = arith.cmpi slt, %get3A_454, %lt3A_456 : vector<16xi32>
    %jit3A_458 = arith.constant 64 : i32
    %broadcast_in_dim3A_459 = vector.broadcast %jit3A_458 : i32 to vector<16xi32>
    %select_n3A_460 = arith.select %lt3A_457, %broadcast_in_dim3A_459, %get3A_454 : vector<16xi1>, vector<16xi32>
    %add3A_461 = vector.broadcast %mul3A_129 : i32 to vector<16xi32>
    %add3A_462 = arith.addi %select_n3A_460, %add3A_461 : vector<16xi32>
    %swap3A_463 = arith.constant 5 : i32
    %swap3A_464 = arith.index_cast %swap3A_463 : i32 to index
    %swap3A_465 = arith.constant 48 : index
    %swap3A_466 = tpu.vector_load %arg31[%swap3A_464, %swap3A_465] {strides = array<i32>} : memref<8x64xi32, #tpu.memory_space<vmem>>, vector<16xi32>,
    tpu.vector_store %arg31[%swap3A_464, %swap3A_465], %add3A_462 {strides = array<i32>} : memref<8x64xi32, #tpu.memory_space<vmem>>, vector<16xi32>,
    tpu.vector_store_idx %arg32[%select_n3A_460], %broadcast_in_dim3A_131 : memref<80xi32, #tpu.memory_space<vmem>>[vector<16xi32>], vector<16xi32>,
    %get3A_467 = arith.constant 384 : index
    %get3A_468 = tpu.vector_load %arg30[%get3A_467] {strides = array<i32>} : memref<512xi32, #tpu.memory_space<vmem>>, vector<16xi32>,
    %lt3A_469 = arith.constant 0 : i32
    %lt3A_470 = vector.broadcast %lt3A_469 : i32 to vector<16xi32>
    %lt3A_471 = arith.cmpi slt, %get3A_468, %lt3A_470 : vector<16xi32>
    %jit3A_472 = arith.constant 64 : i32
    %broadcast_in_dim3A_473 = vector.broadcast %jit3A_472 : i32 to vector<16xi32>
    %select_n3A_474 = arith.select %lt3A_471, %broadcast_in_dim3A_473, %get3A_468 : vector<16xi1>, vector<16xi32>
    %add3A_475 = vector.broadcast %mul3A_129 : i32 to vector<16xi32>
    %add3A_476 = arith.addi %select_n3A_474, %add3A_475 : vector<16xi32>
    %swap3A_477 = arith.constant 6 : i32
    %swap3A_478 = arith.index_cast %swap3A_477 : i32 to index
    %swap3A_479 = arith.constant 0 : index
    %swap3A_480 = tpu.vector_load %arg31[%swap3A_478, %swap3A_479] {strides = array<i32>} : memref<8x64xi32, #tpu.memory_space<vmem>>, vector<16xi32>,
    tpu.vector_store %arg31[%swap3A_478, %swap3A_479], %add3A_476 {strides = array<i32>} : memref<8x64xi32, #tpu.memory_space<vmem>>, vector<16xi32>,
    tpu.vector_store_idx %arg32[%select_n3A_474], %broadcast_in_dim3A_131 : memref<80xi32, #tpu.memory_space<vmem>>[vector<16xi32>], vector<16xi32>,
    %get3A_481 = arith.constant 400 : index
    %get3A_482 = tpu.vector_load %arg30[%get3A_481] {strides = array<i32>} : memref<512xi32, #tpu.memory_space<vmem>>, vector<16xi32>,
    %lt3A_483 = arith.constant 0 : i32
    %lt3A_484 = vector.broadcast %lt3A_483 : i32 to vector<16xi32>
    %lt3A_485 = arith.cmpi slt, %get3A_482, %lt3A_484 : vector<16xi32>
    %jit3A_486 = arith.constant 64 : i32
    %broadcast_in_dim3A_487 = vector.broadcast %jit3A_486 : i32 to vector<16xi32>
    %select_n3A_488 = arith.select %lt3A_485, %broadcast_in_dim3A_487, %get3A_482 : vector<16xi1>, vector<16xi32>
    %add3A_489 = vector.broadcast %mul3A_129 : i32 to vector<16xi32>
    %add3A_490 = arith.addi %select_n3A_488, %add3A_489 : vector<16xi32>
    %swap3A_491 = arith.constant 6 : i32
    %swap3A_492 = arith.index_cast %swap3A_491 : i32 to index
    %swap3A_493 = arith.constant 16 : index
    %swap3A_494 = tpu.vector_load %arg31[%swap3A_492, %swap3A_493] {strides = array<i32>} : memref<8x64xi32, #tpu.memory_space<vmem>>, vector<16xi32>,
    tpu.vector_store %arg31[%swap3A_492, %swap3A_493], %add3A_490 {strides = array<i32>} : memref<8x64xi32, #tpu.memory_space<vmem>>, vector<16xi32>,
    tpu.vector_store_idx %arg32[%select_n3A_488], %broadcast_in_dim3A_131 : memref<80xi32, #tpu.memory_space<vmem>>[vector<16xi32>], vector<16xi32>,
    %get3A_495 = arith.constant 416 : index
    %get3A_496 = tpu.vector_load %arg30[%get3A_495] {strides = array<i32>} : memref<512xi32, #tpu.memory_space<vmem>>, vector<16xi32>,
    %lt3A_497 = arith.constant 0 : i32
    %lt3A_498 = vector.broadcast %lt3A_497 : i32 to vector<16xi32>
    %lt3A_499 = arith.cmpi slt, %get3A_496, %lt3A_498 : vector<16xi32>
    %jit3A_500 = arith.constant 64 : i32
    %broadcast_in_dim3A_501 = vector.broadcast %jit3A_500 : i32 to vector<16xi32>
    %select_n3A_502 = arith.select %lt3A_499, %broadcast_in_dim3A_501, %get3A_496 : vector<16xi1>, vector<16xi32>
    %add3A_503 = vector.broadcast %mul3A_129 : i32 to vector<16xi32>
    %add3A_504 = arith.addi %select_n3A_502, %add3A_503 : vector<16xi32>
    %swap3A_505 = arith.constant 6 : i32
    %swap3A_506 = arith.index_cast %swap3A_505 : i32 to index
    %swap3A_507 = arith.constant 32 : index
    %swap3A_508 = tpu.vector_load %arg31[%swap3A_506, %swap3A_507] {strides = array<i32>} : memref<8x64xi32, #tpu.memory_space<vmem>>, vector<16xi32>,
    tpu.vector_store %arg31[%swap3A_506, %swap3A_507], %add3A_504 {strides = array<i32>} : memref<8x64xi32, #tpu.memory_space<vmem>>, vector<16xi32>,
    tpu.vector_store_idx %arg32[%select_n3A_502], %broadcast_in_dim3A_131 : memref<80xi32, #tpu.memory_space<vmem>>[vector<16xi32>], vector<16xi32>,
    %get3A_509 = arith.constant 432 : index
    %get3A_510 = tpu.vector_load %arg30[%get3A_509] {strides = array<i32>} : memref<512xi32, #tpu.memory_space<vmem>>, vector<16xi32>,
    %lt3A_511 = arith.constant 0 : i32
    %lt3A_512 = vector.broadcast %lt3A_511 : i32 to vector<16xi32>
    %lt3A_513 = arith.cmpi slt, %get3A_510, %lt3A_512 : vector<16xi32>
    %jit3A_514 = arith.constant 64 : i32
    %broadcast_in_dim3A_515 = vector.broadcast %jit3A_514 : i32 to vector<16xi32>
    %select_n3A_516 = arith.select %lt3A_513, %broadcast_in_dim3A_515, %get3A_510 : vector<16xi1>, vector<16xi32>
    %add3A_517 = vector.broadcast %mul3A_129 : i32 to vector<16xi32>
    %add3A_518 = arith.addi %select_n3A_516, %add3A_517 : vector<16xi32>
    %swap3A_519 = arith.constant 6 : i32
    %swap3A_520 = arith.index_cast %swap3A_519 : i32 to index
    %swap3A_521 = arith.constant 48 : index
    %swap3A_522 = tpu.vector_load %arg31[%swap3A_520, %swap3A_521] {strides = array<i32>} : memref<8x64xi32, #tpu.memory_space<vmem>>, vector<16xi32>,
    tpu.vector_store %arg31[%swap3A_520, %swap3A_521], %add3A_518 {strides = array<i32>} : memref<8x64xi32, #tpu.memory_space<vmem>>, vector<16xi32>,
    tpu.vector_store_idx %arg32[%select_n3A_516], %broadcast_in_dim3A_131 : memref<80xi32, #tpu.memory_space<vmem>>[vector<16xi32>], vector<16xi32>,
    %get3A_523 = arith.constant 448 : index
    %get3A_524 = tpu.vector_load %arg30[%get3A_523] {strides = array<i32>} : memref<512xi32, #tpu.memory_space<vmem>>, vector<16xi32>,
    %lt3A_525 = arith.constant 0 : i32
    %lt3A_526 = vector.broadcast %lt3A_525 : i32 to vector<16xi32>
    %lt3A_527 = arith.cmpi slt, %get3A_524, %lt3A_526 : vector<16xi32>
    %jit3A_528 = arith.constant 64 : i32
    %broadcast_in_dim3A_529 = vector.broadcast %jit3A_528 : i32 to vector<16xi32>
    %select_n3A_530 = arith.select %lt3A_527, %broadcast_in_dim3A_529, %get3A_524 : vector<16xi1>, vector<16xi32>
    %add3A_531 = vector.broadcast %mul3A_129 : i32 to vector<16xi32>
    %add3A_532 = arith.addi %select_n3A_530, %add3A_531 : vector<16xi32>
    %swap3A_533 = arith.constant 7 : i32
    %swap3A_534 = arith.index_cast %swap3A_533 : i32 to index
    %swap3A_535 = arith.constant 0 : index
    %swap3A_536 = tpu.vector_load %arg31[%swap3A_534, %swap3A_535] {strides = array<i32>} : memref<8x64xi32, #tpu.memory_space<vmem>>, vector<16xi32>,
    tpu.vector_store %arg31[%swap3A_534, %swap3A_535], %add3A_532 {strides = array<i32>} : memref<8x64xi32, #tpu.memory_space<vmem>>, vector<16xi32>,
    tpu.vector_store_idx %arg32[%select_n3A_530], %broadcast_in_dim3A_131 : memref<80xi32, #tpu.memory_space<vmem>>[vector<16xi32>], vector<16xi32>,
    %get3A_537 = arith.constant 464 : index
    %get3A_538 = tpu.vector_load %arg30[%get3A_537] {strides = array<i32>} : memref<512xi32, #tpu.memory_space<vmem>>, vector<16xi32>,
    %lt3A_539 = arith.constant 0 : i32
    %lt3A_540 = vector.broadcast %lt3A_539 : i32 to vector<16xi32>
    %lt3A_541 = arith.cmpi slt, %get3A_538, %lt3A_540 : vector<16xi32>
    %jit3A_542 = arith.constant 64 : i32
    %broadcast_in_dim3A_543 = vector.broadcast %jit3A_542 : i32 to vector<16xi32>
    %select_n3A_544 = arith.select %lt3A_541, %broadcast_in_dim3A_543, %get3A_538 : vector<16xi1>, vector<16xi32>
    %add3A_545 = vector.broadcast %mul3A_129 : i32 to vector<16xi32>
    %add3A_546 = arith.addi %select_n3A_544, %add3A_545 : vector<16xi32>
    %swap3A_547 = arith.constant 7 : i32
    %swap3A_548 = arith.index_cast %swap3A_547 : i32 to index
    %swap3A_549 = arith.constant 16 : index
    %swap3A_550 = tpu.vector_load %arg31[%swap3A_548, %swap3A_549] {strides = array<i32>} : memref<8x64xi32, #tpu.memory_space<vmem>>, vector<16xi32>,
    tpu.vector_store %arg31[%swap3A_548, %swap3A_549], %add3A_546 {strides = array<i32>} : memref<8x64xi32, #tpu.memory_space<vmem>>, vector<16xi32>,
    tpu.vector_store_idx %arg32[%select_n3A_544], %broadcast_in_dim3A_131 : memref<80xi32, #tpu.memory_space<vmem>>[vector<16xi32>], vector<16xi32>,
    %get3A_551 = arith.constant 480 : index
    %get3A_552 = tpu.vector_load %arg30[%get3A_551] {strides = array<i32>} : memref<512xi32, #tpu.memory_space<vmem>>, vector<16xi32>,
    %lt3A_553 = arith.constant 0 : i32
    %lt3A_554 = vector.broadcast %lt3A_553 : i32 to vector<16xi32>
    %lt3A_555 = arith.cmpi slt, %get3A_552, %lt3A_554 : vector<16xi32>
    %jit3A_556 = arith.constant 64 : i32
    %broadcast_in_dim3A_557 = vector.broadcast %jit3A_556 : i32 to vector<16xi32>
    %select_n3A_558 = arith.select %lt3A_555, %broadcast_in_dim3A_557, %get3A_552 : vector<16xi1>, vector<16xi32>
    %add3A_559 = vector.broadcast %mul3A_129 : i32 to vector<16xi32>
    %add3A_560 = arith.addi %select_n3A_558, %add3A_559 : vector<16xi32>
    %swap3A_561 = arith.constant 7 : i32
    %swap3A_562 = arith.index_cast %swap3A_561 : i32 to index
    %swap3A_563 = arith.constant 32 : index
    %swap3A_564 = tpu.vector_load %arg31[%swap3A_562, %swap3A_563] {strides = array<i32>} : memref<8x64xi32, #tpu.memory_space<vmem>>, vector<16xi32>,
    tpu.vector_store %arg31[%swap3A_562, %swap3A_563], %add3A_560 {strides = array<i32>} : memref<8x64xi32, #tpu.memory_space<vmem>>, vector<16xi32>,
    tpu.vector_store_idx %arg32[%select_n3A_558], %broadcast_in_dim3A_131 : memref<80xi32, #tpu.memory_space<vmem>>[vector<16xi32>], vector<16xi32>,
    %get3A_565 = arith.constant 496 : index
    %get3A_566 = tpu.vector_load %arg30[%get3A_565] {strides = array<i32>} : memref<512xi32, #tpu.memory_space<vmem>>, vector<16xi32>,
    %lt3A_567 = arith.constant 0 : i32
    %lt3A_568 = vector.broadcast %lt3A_567 : i32 to vector<16xi32>
    %lt3A_569 = arith.cmpi slt, %get3A_566, %lt3A_568 : vector<16xi32>
    %jit3A_570 = arith.constant 64 : i32
    %broadcast_in_dim3A_571 = vector.broadcast %jit3A_570 : i32 to vector<16xi32>
    %select_n3A_572 = arith.select %lt3A_569, %broadcast_in_dim3A_571, %get3A_566 : vector<16xi1>, vector<16xi32>
    %add3A_573 = vector.broadcast %mul3A_129 : i32 to vector<16xi32>
    %add3A_574 = arith.addi %select_n3A_572, %add3A_573 : vector<16xi32>
    %swap3A_575 = arith.constant 7 : i32
    %swap3A_576 = arith.index_cast %swap3A_575 : i32 to index
    %swap3A_577 = arith.constant 48 : index
    %swap3A_578 = tpu.vector_load %arg31[%swap3A_576, %swap3A_577] {strides = array<i32>} : memref<8x64xi32, #tpu.memory_space<vmem>>, vector<16xi32>,
    tpu.vector_store %arg31[%swap3A_576, %swap3A_577], %add3A_574 {strides = array<i32>} : memref<8x64xi32, #tpu.memory_space<vmem>>, vector<16xi32>,
    tpu.vector_store_idx %arg32[%select_n3A_572], %broadcast_in_dim3A_131 : memref<80xi32, #tpu.memory_space<vmem>>[vector<16xi32>], vector<16xi32>,
    %barrier3A = arith.constant 0 : index
    tpu.barrier barrier_id(%barrier3A)
    %dma_wait3A_579 = arith.constant 0 : i32
    %dma_wait3A_580 = tpu.memref_slice %arg2[%add3A_32, %add3A_38, %dma_wait3A_579] : memref<8x2048x128xf32, #tpu.memory_space<hbm>> -> memref<1x64x128xf32, #tpu.memory_space<hbm>>
    %dma_wait3A_581 = tpu.memref_squeeze %dma_wait3A_580 : memref<1x64x128xf32, #tpu.memory_space<hbm>> -> memref<64x128xf32, #tpu.memory_space<hbm>>
    %dma_wait3A_582 = arith.constant 0 : i32
    %dma_wait3A_583 = tpu.memref_slice %arg2[%add3A_32, %add3A_38, %dma_wait3A_582] : memref<8x2048x128xf32, #tpu.memory_space<hbm>> -> memref<1x64x128xf32, #tpu.memory_space<hbm>>
    %dma_wait3A_584 = tpu.memref_squeeze %dma_wait3A_583 : memref<1x64x128xf32, #tpu.memory_space<hbm>> -> memref<64x128xf32, #tpu.memory_space<hbm>>
    tpu.wait_dma2 semaphore(%arg14 : memref<!tpu.dma_semaphore, #tpu.memory_space<semaphore_mem>>) src(%dma_wait3A_584 : memref<64x128xf32, #tpu.memory_space<hbm>>) dst(%arg6 : memref<64x128xf32, #tpu.memory_space<vmem>>)
    %dma_start3A_585 = arith.constant 0 : i32
    %dma_start3A_586 = arith.constant 0 : i32
    %dma_start3A_587 = tpu.memref_slice %arg31[%dma_start3A_585, %dma_start3A_586] : memref<8x64xi32, #tpu.memory_space<vmem>> -> memref<1x64xi32, #tpu.memory_space<vmem>>
    %dma_start3A_588 = tpu.memref_squeeze %dma_start3A_587 : memref<1x64xi32, #tpu.memory_space<vmem>> -> memref<64xi32, #tpu.memory_space<vmem>>
    %dma_start3A_589 = arith.constant 0 : i32
    %dma_start3A_590 = arith.constant 0 : i32
    %dma_start3A_591 = tpu.memref_slice %arg38[%dma_start3A_589, %dma_start3A_590] : memref<272x128xf32, #tpu.memory_space<vmem_shared>> -> memref<272x128xf32, #tpu.memory_space<vmem_shared>>
    tpu.enqueue_indirect_dma source(%arg6 : memref<64x128xf32, #tpu.memory_space<vmem>>) target(%dma_start3A_591 : memref<272x128xf32, #tpu.memory_space<vmem_shared>>) offsets(%dma_start3A_588 : memref<64xi32, #tpu.memory_space<vmem>>) semaphore(%arg22 : memref<!tpu.dma_semaphore, #tpu.memory_space<semaphore_mem>>) {add = true}
    %dma_wait3A_592 = arith.constant 0 : i32
    %dma_wait3A_593 = tpu.memref_slice %arg2[%add3A_32, %add3A_46, %dma_wait3A_592] : memref<8x2048x128xf32, #tpu.memory_space<hbm>> -> memref<1x64x128xf32, #tpu.memory_space<hbm>>
    %dma_wait3A_594 = tpu.memref_squeeze %dma_wait3A_593 : memref<1x64x128xf32, #tpu.memory_space<hbm>> -> memref<64x128xf32, #tpu.memory_space<hbm>>
    %dma_wait3A_595 = arith.constant 0 : i32
    %dma_wait3A_596 = tpu.memref_slice %arg2[%add3A_32, %add3A_46, %dma_wait3A_595] : memref<8x2048x128xf32, #tpu.memory_space<hbm>> -> memref<1x64x128xf32, #tpu.memory_space<hbm>>
    %dma_wait3A_597 = tpu.memref_squeeze %dma_wait3A_596 : memref<1x64x128xf32, #tpu.memory_space<hbm>> -> memref<64x128xf32, #tpu.memory_space<hbm>>
    tpu.wait_dma2 semaphore(%arg15 : memref<!tpu.dma_semaphore, #tpu.memory_space<semaphore_mem>>) src(%dma_wait3A_597 : memref<64x128xf32, #tpu.memory_space<hbm>>) dst(%arg7 : memref<64x128xf32, #tpu.memory_space<vmem>>)
    %dma_start3A_598 = arith.constant 1 : i32
    %dma_start3A_599 = arith.constant 0 : i32
    %dma_start3A_600 = tpu.memref_slice %arg31[%dma_start3A_598, %dma_start3A_599] : memref<8x64xi32, #tpu.memory_space<vmem>> -> memref<1x64xi32, #tpu.memory_space<vmem>>
    %dma_start3A_601 = tpu.memref_squeeze %dma_start3A_600 : memref<1x64xi32, #tpu.memory_space<vmem>> -> memref<64xi32, #tpu.memory_space<vmem>>
    %dma_start3A_602 = arith.constant 0 : i32
    %dma_start3A_603 = arith.constant 0 : i32
    %dma_start3A_604 = tpu.memref_slice %arg38[%dma_start3A_602, %dma_start3A_603] : memref<272x128xf32, #tpu.memory_space<vmem_shared>> -> memref<272x128xf32, #tpu.memory_space<vmem_shared>>
    tpu.enqueue_indirect_dma source(%arg7 : memref<64x128xf32, #tpu.memory_space<vmem>>) target(%dma_start3A_604 : memref<272x128xf32, #tpu.memory_space<vmem_shared>>) offsets(%dma_start3A_601 : memref<64xi32, #tpu.memory_space<vmem>>) semaphore(%arg23 : memref<!tpu.dma_semaphore, #tpu.memory_space<semaphore_mem>>) {add = true}
    %dma_wait3A_605 = arith.constant 0 : i32
    %dma_wait3A_606 = tpu.memref_slice %arg2[%add3A_32, %add3A_54, %dma_wait3A_605] : memref<8x2048x128xf32, #tpu.memory_space<hbm>> -> memref<1x64x128xf32, #tpu.memory_space<hbm>>
    %dma_wait3A_607 = tpu.memref_squeeze %dma_wait3A_606 : memref<1x64x128xf32, #tpu.memory_space<hbm>> -> memref<64x128xf32, #tpu.memory_space<hbm>>
    %dma_wait3A_608 = arith.constant 0 : i32
    %dma_wait3A_609 = tpu.memref_slice %arg2[%add3A_32, %add3A_54, %dma_wait3A_608] : memref<8x2048x128xf32, #tpu.memory_space<hbm>> -> memref<1x64x128xf32, #tpu.memory_space<hbm>>
    %dma_wait3A_610 = tpu.memref_squeeze %dma_wait3A_609 : memref<1x64x128xf32, #tpu.memory_space<hbm>> -> memref<64x128xf32, #tpu.memory_space<hbm>>
    tpu.wait_dma2 semaphore(%arg16 : memref<!tpu.dma_semaphore, #tpu.memory_space<semaphore_mem>>) src(%dma_wait3A_610 : memref<64x128xf32, #tpu.memory_space<hbm>>) dst(%arg8 : memref<64x128xf32, #tpu.memory_space<vmem>>)
    %dma_start3A_611 = arith.constant 2 : i32
    %dma_start3A_612 = arith.constant 0 : i32
    %dma_start3A_613 = tpu.memref_slice %arg31[%dma_start3A_611, %dma_start3A_612] : memref<8x64xi32, #tpu.memory_space<vmem>> -> memref<1x64xi32, #tpu.memory_space<vmem>>
    %dma_start3A_614 = tpu.memref_squeeze %dma_start3A_613 : memref<1x64xi32, #tpu.memory_space<vmem>> -> memref<64xi32, #tpu.memory_space<vmem>>
    %dma_start3A_615 = arith.constant 0 : i32
    %dma_start3A_616 = arith.constant 0 : i32
    %dma_start3A_617 = tpu.memref_slice %arg38[%dma_start3A_615, %dma_start3A_616] : memref<272x128xf32, #tpu.memory_space<vmem_shared>> -> memref<272x128xf32, #tpu.memory_space<vmem_shared>>
    tpu.enqueue_indirect_dma source(%arg8 : memref<64x128xf32, #tpu.memory_space<vmem>>) target(%dma_start3A_617 : memref<272x128xf32, #tpu.memory_space<vmem_shared>>) offsets(%dma_start3A_614 : memref<64xi32, #tpu.memory_space<vmem>>) semaphore(%arg24 : memref<!tpu.dma_semaphore, #tpu.memory_space<semaphore_mem>>) {add = true}
    %dma_wait3A_618 = arith.constant 0 : i32
    %dma_wait3A_619 = tpu.memref_slice %arg2[%add3A_32, %add3A_62, %dma_wait3A_618] : memref<8x2048x128xf32, #tpu.memory_space<hbm>> -> memref<1x64x128xf32, #tpu.memory_space<hbm>>
    %dma_wait3A_620 = tpu.memref_squeeze %dma_wait3A_619 : memref<1x64x128xf32, #tpu.memory_space<hbm>> -> memref<64x128xf32, #tpu.memory_space<hbm>>
    %dma_wait3A_621 = arith.constant 0 : i32
    %dma_wait3A_622 = tpu.memref_slice %arg2[%add3A_32, %add3A_62, %dma_wait3A_621] : memref<8x2048x128xf32, #tpu.memory_space<hbm>> -> memref<1x64x128xf32, #tpu.memory_space<hbm>>
    %dma_wait3A_623 = tpu.memref_squeeze %dma_wait3A_622 : memref<1x64x128xf32, #tpu.memory_space<hbm>> -> memref<64x128xf32, #tpu.memory_space<hbm>>
    tpu.wait_dma2 semaphore(%arg17 : memref<!tpu.dma_semaphore, #tpu.memory_space<semaphore_mem>>) src(%dma_wait3A_623 : memref<64x128xf32, #tpu.memory_space<hbm>>) dst(%arg9 : memref<64x128xf32, #tpu.memory_space<vmem>>)
    %dma_start3A_624 = arith.constant 3 : i32
    %dma_start3A_625 = arith.constant 0 : i32
    %dma_start3A_626 = tpu.memref_slice %arg31[%dma_start3A_624, %dma_start3A_625] : memref<8x64xi32, #tpu.memory_space<vmem>> -> memref<1x64xi32, #tpu.memory_space<vmem>>
    %dma_start3A_627 = tpu.memref_squeeze %dma_start3A_626 : memref<1x64xi32, #tpu.memory_space<vmem>> -> memref<64xi32, #tpu.memory_space<vmem>>
    %dma_start3A_628 = arith.constant 0 : i32
    %dma_start3A_629 = arith.constant 0 : i32
    %dma_start3A_630 = tpu.memref_slice %arg38[%dma_start3A_628, %dma_start3A_629] : memref<272x128xf32, #tpu.memory_space<vmem_shared>> -> memref<272x128xf32, #tpu.memory_space<vmem_shared>>
    tpu.enqueue_indirect_dma source(%arg9 : memref<64x128xf32, #tpu.memory_space<vmem>>) target(%dma_start3A_630 : memref<272x128xf32, #tpu.memory_space<vmem_shared>>) offsets(%dma_start3A_627 : memref<64xi32, #tpu.memory_space<vmem>>) semaphore(%arg25 : memref<!tpu.dma_semaphore, #tpu.memory_space<semaphore_mem>>) {add = true}
    %dma_wait3A_631 = arith.constant 0 : i32
    %dma_wait3A_632 = tpu.memref_slice %arg2[%add3A_32, %add3A_70, %dma_wait3A_631] : memref<8x2048x128xf32, #tpu.memory_space<hbm>> -> memref<1x64x128xf32, #tpu.memory_space<hbm>>
    %dma_wait3A_633 = tpu.memref_squeeze %dma_wait3A_632 : memref<1x64x128xf32, #tpu.memory_space<hbm>> -> memref<64x128xf32, #tpu.memory_space<hbm>>
    %dma_wait3A_634 = arith.constant 0 : i32
    %dma_wait3A_635 = tpu.memref_slice %arg2[%add3A_32, %add3A_70, %dma_wait3A_634] : memref<8x2048x128xf32, #tpu.memory_space<hbm>> -> memref<1x64x128xf32, #tpu.memory_space<hbm>>
    %dma_wait3A_636 = tpu.memref_squeeze %dma_wait3A_635 : memref<1x64x128xf32, #tpu.memory_space<hbm>> -> memref<64x128xf32, #tpu.memory_space<hbm>>
    tpu.wait_dma2 semaphore(%arg18 : memref<!tpu.dma_semaphore, #tpu.memory_space<semaphore_mem>>) src(%dma_wait3A_636 : memref<64x128xf32, #tpu.memory_space<hbm>>) dst(%arg10 : memref<64x128xf32, #tpu.memory_space<vmem>>)
    %dma_start3A_637 = arith.constant 4 : i32
    %dma_start3A_638 = arith.constant 0 : i32
    %dma_start3A_639 = tpu.memref_slice %arg31[%dma_start3A_637, %dma_start3A_638] : memref<8x64xi32, #tpu.memory_space<vmem>> -> memref<1x64xi32, #tpu.memory_space<vmem>>
    %dma_start3A_640 = tpu.memref_squeeze %dma_start3A_639 : memref<1x64xi32, #tpu.memory_space<vmem>> -> memref<64xi32, #tpu.memory_space<vmem>>
    %dma_start3A_641 = arith.constant 0 : i32
    %dma_start3A_642 = arith.constant 0 : i32
    %dma_start3A_643 = tpu.memref_slice %arg38[%dma_start3A_641, %dma_start3A_642] : memref<272x128xf32, #tpu.memory_space<vmem_shared>> -> memref<272x128xf32, #tpu.memory_space<vmem_shared>>
    tpu.enqueue_indirect_dma source(%arg10 : memref<64x128xf32, #tpu.memory_space<vmem>>) target(%dma_start3A_643 : memref<272x128xf32, #tpu.memory_space<vmem_shared>>) offsets(%dma_start3A_640 : memref<64xi32, #tpu.memory_space<vmem>>) semaphore(%arg26 : memref<!tpu.dma_semaphore, #tpu.memory_space<semaphore_mem>>) {add = true}
    %dma_wait3A_644 = arith.constant 0 : i32
    %dma_wait3A_645 = tpu.memref_slice %arg2[%add3A_32, %add3A_78, %dma_wait3A_644] : memref<8x2048x128xf32, #tpu.memory_space<hbm>> -> memref<1x64x128xf32, #tpu.memory_space<hbm>>
    %dma_wait3A_646 = tpu.memref_squeeze %dma_wait3A_645 : memref<1x64x128xf32, #tpu.memory_space<hbm>> -> memref<64x128xf32, #tpu.memory_space<hbm>>
    %dma_wait3A_647 = arith.constant 0 : i32
    %dma_wait3A_648 = tpu.memref_slice %arg2[%add3A_32, %add3A_78, %dma_wait3A_647] : memref<8x2048x128xf32, #tpu.memory_space<hbm>> -> memref<1x64x128xf32, #tpu.memory_space<hbm>>
    %dma_wait3A_649 = tpu.memref_squeeze %dma_wait3A_648 : memref<1x64x128xf32, #tpu.memory_space<hbm>> -> memref<64x128xf32, #tpu.memory_space<hbm>>
    tpu.wait_dma2 semaphore(%arg19 : memref<!tpu.dma_semaphore, #tpu.memory_space<semaphore_mem>>) src(%dma_wait3A_649 : memref<64x128xf32, #tpu.memory_space<hbm>>) dst(%arg11 : memref<64x128xf32, #tpu.memory_space<vmem>>)
    %dma_start3A_650 = arith.constant 5 : i32
    %dma_start3A_651 = arith.constant 0 : i32
    %dma_start3A_652 = tpu.memref_slice %arg31[%dma_start3A_650, %dma_start3A_651] : memref<8x64xi32, #tpu.memory_space<vmem>> -> memref<1x64xi32, #tpu.memory_space<vmem>>
    %dma_start3A_653 = tpu.memref_squeeze %dma_start3A_652 : memref<1x64xi32, #tpu.memory_space<vmem>> -> memref<64xi32, #tpu.memory_space<vmem>>
    %dma_start3A_654 = arith.constant 0 : i32
    %dma_start3A_655 = arith.constant 0 : i32
    %dma_start3A_656 = tpu.memref_slice %arg38[%dma_start3A_654, %dma_start3A_655] : memref<272x128xf32, #tpu.memory_space<vmem_shared>> -> memref<272x128xf32, #tpu.memory_space<vmem_shared>>
    tpu.enqueue_indirect_dma source(%arg11 : memref<64x128xf32, #tpu.memory_space<vmem>>) target(%dma_start3A_656 : memref<272x128xf32, #tpu.memory_space<vmem_shared>>) offsets(%dma_start3A_653 : memref<64xi32, #tpu.memory_space<vmem>>) semaphore(%arg27 : memref<!tpu.dma_semaphore, #tpu.memory_space<semaphore_mem>>) {add = true}
    %dma_wait3A_657 = arith.constant 0 : i32
    %dma_wait3A_658 = tpu.memref_slice %arg2[%add3A_32, %add3A_86, %dma_wait3A_657] : memref<8x2048x128xf32, #tpu.memory_space<hbm>> -> memref<1x64x128xf32, #tpu.memory_space<hbm>>
    %dma_wait3A_659 = tpu.memref_squeeze %dma_wait3A_658 : memref<1x64x128xf32, #tpu.memory_space<hbm>> -> memref<64x128xf32, #tpu.memory_space<hbm>>
    %dma_wait3A_660 = arith.constant 0 : i32
    %dma_wait3A_661 = tpu.memref_slice %arg2[%add3A_32, %add3A_86, %dma_wait3A_660] : memref<8x2048x128xf32, #tpu.memory_space<hbm>> -> memref<1x64x128xf32, #tpu.memory_space<hbm>>
    %dma_wait3A_662 = tpu.memref_squeeze %dma_wait3A_661 : memref<1x64x128xf32, #tpu.memory_space<hbm>> -> memref<64x128xf32, #tpu.memory_space<hbm>>
    tpu.wait_dma2 semaphore(%arg20 : memref<!tpu.dma_semaphore, #tpu.memory_space<semaphore_mem>>) src(%dma_wait3A_662 : memref<64x128xf32, #tpu.memory_space<hbm>>) dst(%arg12 : memref<64x128xf32, #tpu.memory_space<vmem>>)
    %dma_start3A_663 = arith.constant 6 : i32
    %dma_start3A_664 = arith.constant 0 : i32
    %dma_start3A_665 = tpu.memref_slice %arg31[%dma_start3A_663, %dma_start3A_664] : memref<8x64xi32, #tpu.memory_space<vmem>> -> memref<1x64xi32, #tpu.memory_space<vmem>>
    %dma_start3A_666 = tpu.memref_squeeze %dma_start3A_665 : memref<1x64xi32, #tpu.memory_space<vmem>> -> memref<64xi32, #tpu.memory_space<vmem>>
    %dma_start3A_667 = arith.constant 0 : i32
    %dma_start3A_668 = arith.constant 0 : i32
    %dma_start3A_669 = tpu.memref_slice %arg38[%dma_start3A_667, %dma_start3A_668] : memref<272x128xf32, #tpu.memory_space<vmem_shared>> -> memref<272x128xf32, #tpu.memory_space<vmem_shared>>
    tpu.enqueue_indirect_dma source(%arg12 : memref<64x128xf32, #tpu.memory_space<vmem>>) target(%dma_start3A_669 : memref<272x128xf32, #tpu.memory_space<vmem_shared>>) offsets(%dma_start3A_666 : memref<64xi32, #tpu.memory_space<vmem>>) semaphore(%arg28 : memref<!tpu.dma_semaphore, #tpu.memory_space<semaphore_mem>>) {add = true}
    %dma_wait3A_670 = arith.constant 0 : i32
    %dma_wait3A_671 = tpu.memref_slice %arg2[%add3A_32, %add3A_94, %dma_wait3A_670] : memref<8x2048x128xf32, #tpu.memory_space<hbm>> -> memref<1x64x128xf32, #tpu.memory_space<hbm>>
    %dma_wait3A_672 = tpu.memref_squeeze %dma_wait3A_671 : memref<1x64x128xf32, #tpu.memory_space<hbm>> -> memref<64x128xf32, #tpu.memory_space<hbm>>
    %dma_wait3A_673 = arith.constant 0 : i32
    %dma_wait3A_674 = tpu.memref_slice %arg2[%add3A_32, %add3A_94, %dma_wait3A_673] : memref<8x2048x128xf32, #tpu.memory_space<hbm>> -> memref<1x64x128xf32, #tpu.memory_space<hbm>>
    %dma_wait3A_675 = tpu.memref_squeeze %dma_wait3A_674 : memref<1x64x128xf32, #tpu.memory_space<hbm>> -> memref<64x128xf32, #tpu.memory_space<hbm>>
    tpu.wait_dma2 semaphore(%arg21 : memref<!tpu.dma_semaphore, #tpu.memory_space<semaphore_mem>>) src(%dma_wait3A_675 : memref<64x128xf32, #tpu.memory_space<hbm>>) dst(%arg13 : memref<64x128xf32, #tpu.memory_space<vmem>>)
    %dma_start3A_676 = arith.constant 7 : i32
    %dma_start3A_677 = arith.constant 0 : i32
    %dma_start3A_678 = tpu.memref_slice %arg31[%dma_start3A_676, %dma_start3A_677] : memref<8x64xi32, #tpu.memory_space<vmem>> -> memref<1x64xi32, #tpu.memory_space<vmem>>
    %dma_start3A_679 = tpu.memref_squeeze %dma_start3A_678 : memref<1x64xi32, #tpu.memory_space<vmem>> -> memref<64xi32, #tpu.memory_space<vmem>>
    %dma_start3A_680 = arith.constant 0 : i32
    %dma_start3A_681 = arith.constant 0 : i32
    %dma_start3A_682 = tpu.memref_slice %arg38[%dma_start3A_680, %dma_start3A_681] : memref<272x128xf32, #tpu.memory_space<vmem_shared>> -> memref<272x128xf32, #tpu.memory_space<vmem_shared>>
    tpu.enqueue_indirect_dma source(%arg13 : memref<64x128xf32, #tpu.memory_space<vmem>>) target(%dma_start3A_682 : memref<272x128xf32, #tpu.memory_space<vmem_shared>>) offsets(%dma_start3A_679 : memref<64xi32, #tpu.memory_space<vmem>>) semaphore(%arg29 : memref<!tpu.dma_semaphore, #tpu.memory_space<semaphore_mem>>) {add = true}
    "tpu.region"() ({
      %run_scoped3A = tpu.sem_alloc : memref<!tpu.dma_semaphore, #tpu.memory_space<semaphore_mem>>
      %dma_start3A_805 = arith.constant 0 : i32
      %dma_start3A_806 = tpu.memref_slice %arg39[%arg1, %dma_start3A_805] : memref<16x80xi32, #tpu.memory_space<vmem_shared>> -> memref<1x80xi32, #tpu.memory_space<vmem_shared>>
      %dma_start3A_807 = tpu.memref_squeeze %dma_start3A_806 : memref<1x80xi32, #tpu.memory_space<vmem_shared>> -> memref<80xi32, #tpu.memory_space<vmem_shared>>
      %dma_start3A_808 = arith.constant 0 : i32
      %dma_start3A_809 = tpu.memref_slice %arg39[%arg1, %dma_start3A_808] : memref<16x80xi32, #tpu.memory_space<vmem_shared>> -> memref<1x80xi32, #tpu.memory_space<vmem_shared>>
      %dma_start3A_810 = tpu.memref_squeeze %dma_start3A_809 : memref<1x80xi32, #tpu.memory_space<vmem_shared>> -> memref<80xi32, #tpu.memory_space<vmem_shared>>
      tpu.enqueue_dma source(%arg32 : memref<80xi32, #tpu.memory_space<vmem>>) target(%dma_start3A_810 : memref<80xi32, #tpu.memory_space<vmem_shared>>) target_semaphore(%run_scoped3A : memref<!tpu.dma_semaphore, #tpu.memory_space<semaphore_mem>>)
      %dma_wait3A_811 = arith.constant 0 : i32
      %dma_wait3A_812 = tpu.memref_slice %arg39[%arg1, %dma_wait3A_811] : memref<16x80xi32, #tpu.memory_space<vmem_shared>> -> memref<1x80xi32, #tpu.memory_space<vmem_shared>>
      %dma_wait3A_813 = tpu.memref_squeeze %dma_wait3A_812 : memref<1x80xi32, #tpu.memory_space<vmem_shared>> -> memref<80xi32, #tpu.memory_space<vmem_shared>>
      %dma_wait3A_814 = arith.constant 0 : i32
      %dma_wait3A_815 = tpu.memref_slice %arg39[%arg1, %dma_wait3A_814] : memref<16x80xi32, #tpu.memory_space<vmem_shared>> -> memref<1x80xi32, #tpu.memory_space<vmem_shared>>
      %dma_wait3A_816 = tpu.memref_squeeze %dma_wait3A_815 : memref<1x80xi32, #tpu.memory_space<vmem_shared>> -> memref<80xi32, #tpu.memory_space<vmem_shared>>
      tpu.wait_dma2 semaphore(%run_scoped3A : memref<!tpu.dma_semaphore, #tpu.memory_space<semaphore_mem>>) src(%arg32 : memref<80xi32, #tpu.memory_space<vmem>>) dst(%dma_wait3A_816 : memref<80xi32, #tpu.memory_space<vmem_shared>>)
      tpu.yield
    }) : () -> ()
    %dma_wait3A_683 = arith.constant 0 : i32
    %dma_wait3A_684 = arith.constant 0 : i32
    %dma_wait3A_685 = tpu.memref_slice %arg31[%dma_wait3A_683, %dma_wait3A_684] : memref<8x64xi32, #tpu.memory_space<vmem>> -> memref<1x64xi32, #tpu.memory_space<vmem>>
    %dma_wait3A_686 = tpu.memref_squeeze %dma_wait3A_685 : memref<1x64xi32, #tpu.memory_space<vmem>> -> memref<64xi32, #tpu.memory_space<vmem>>
    %dma_wait3A_687 = arith.constant 0 : i32
    %dma_wait3A_688 = arith.constant 0 : i32
    %dma_wait3A_689 = tpu.memref_slice %arg38[%dma_wait3A_687, %dma_wait3A_688] : memref<272x128xf32, #tpu.memory_space<vmem_shared>> -> memref<272x128xf32, #tpu.memory_space<vmem_shared>>
    tpu.wait_indirect_dma semaphore(%arg22 : memref<!tpu.dma_semaphore, #tpu.memory_space<semaphore_mem>>) src(%arg6 : memref<64x128xf32, #tpu.memory_space<vmem>>) dst(%dma_wait3A_689 : memref<272x128xf32, #tpu.memory_space<vmem_shared>>)
    %dma_wait3A_690 = arith.constant 1 : i32
    %dma_wait3A_691 = arith.constant 0 : i32
    %dma_wait3A_692 = tpu.memref_slice %arg31[%dma_wait3A_690, %dma_wait3A_691] : memref<8x64xi32, #tpu.memory_space<vmem>> -> memref<1x64xi32, #tpu.memory_space<vmem>>
    %dma_wait3A_693 = tpu.memref_squeeze %dma_wait3A_692 : memref<1x64xi32, #tpu.memory_space<vmem>> -> memref<64xi32, #tpu.memory_space<vmem>>
    %dma_wait3A_694 = arith.constant 0 : i32
    %dma_wait3A_695 = arith.constant 0 : i32
    %dma_wait3A_696 = tpu.memref_slice %arg38[%dma_wait3A_694, %dma_wait3A_695] : memref<272x128xf32, #tpu.memory_space<vmem_shared>> -> memref<272x128xf32, #tpu.memory_space<vmem_shared>>
    tpu.wait_indirect_dma semaphore(%arg23 : memref<!tpu.dma_semaphore, #tpu.memory_space<semaphore_mem>>) src(%arg7 : memref<64x128xf32, #tpu.memory_space<vmem>>) dst(%dma_wait3A_696 : memref<272x128xf32, #tpu.memory_space<vmem_shared>>)
    %dma_wait3A_697 = arith.constant 2 : i32
    %dma_wait3A_698 = arith.constant 0 : i32
    %dma_wait3A_699 = tpu.memref_slice %arg31[%dma_wait3A_697, %dma_wait3A_698] : memref<8x64xi32, #tpu.memory_space<vmem>> -> memref<1x64xi32, #tpu.memory_space<vmem>>
    %dma_wait3A_700 = tpu.memref_squeeze %dma_wait3A_699 : memref<1x64xi32, #tpu.memory_space<vmem>> -> memref<64xi32, #tpu.memory_space<vmem>>
    %dma_wait3A_701 = arith.constant 0 : i32
    %dma_wait3A_702 = arith.constant 0 : i32
    %dma_wait3A_703 = tpu.memref_slice %arg38[%dma_wait3A_701, %dma_wait3A_702] : memref<272x128xf32, #tpu.memory_space<vmem_shared>> -> memref<272x128xf32, #tpu.memory_space<vmem_shared>>
    tpu.wait_indirect_dma semaphore(%arg24 : memref<!tpu.dma_semaphore, #tpu.memory_space<semaphore_mem>>) src(%arg8 : memref<64x128xf32, #tpu.memory_space<vmem>>) dst(%dma_wait3A_703 : memref<272x128xf32, #tpu.memory_space<vmem_shared>>)
    %dma_wait3A_704 = arith.constant 3 : i32
    %dma_wait3A_705 = arith.constant 0 : i32
    %dma_wait3A_706 = tpu.memref_slice %arg31[%dma_wait3A_704, %dma_wait3A_705] : memref<8x64xi32, #tpu.memory_space<vmem>> -> memref<1x64xi32, #tpu.memory_space<vmem>>
    %dma_wait3A_707 = tpu.memref_squeeze %dma_wait3A_706 : memref<1x64xi32, #tpu.memory_space<vmem>> -> memref<64xi32, #tpu.memory_space<vmem>>
    %dma_wait3A_708 = arith.constant 0 : i32
    %dma_wait3A_709 = arith.constant 0 : i32
    %dma_wait3A_710 = tpu.memref_slice %arg38[%dma_wait3A_708, %dma_wait3A_709] : memref<272x128xf32, #tpu.memory_space<vmem_shared>> -> memref<272x128xf32, #tpu.memory_space<vmem_shared>>
    tpu.wait_indirect_dma semaphore(%arg25 : memref<!tpu.dma_semaphore, #tpu.memory_space<semaphore_mem>>) src(%arg9 : memref<64x128xf32, #tpu.memory_space<vmem>>) dst(%dma_wait3A_710 : memref<272x128xf32, #tpu.memory_space<vmem_shared>>)
    %dma_wait3A_711 = arith.constant 4 : i32
    %dma_wait3A_712 = arith.constant 0 : i32
    %dma_wait3A_713 = tpu.memref_slice %arg31[%dma_wait3A_711, %dma_wait3A_712] : memref<8x64xi32, #tpu.memory_space<vmem>> -> memref<1x64xi32, #tpu.memory_space<vmem>>
    %dma_wait3A_714 = tpu.memref_squeeze %dma_wait3A_713 : memref<1x64xi32, #tpu.memory_space<vmem>> -> memref<64xi32, #tpu.memory_space<vmem>>
    %dma_wait3A_715 = arith.constant 0 : i32
    %dma_wait3A_716 = arith.constant 0 : i32
    %dma_wait3A_717 = tpu.memref_slice %arg38[%dma_wait3A_715, %dma_wait3A_716] : memref<272x128xf32, #tpu.memory_space<vmem_shared>> -> memref<272x128xf32, #tpu.memory_space<vmem_shared>>
    tpu.wait_indirect_dma semaphore(%arg26 : memref<!tpu.dma_semaphore, #tpu.memory_space<semaphore_mem>>) src(%arg10 : memref<64x128xf32, #tpu.memory_space<vmem>>) dst(%dma_wait3A_717 : memref<272x128xf32, #tpu.memory_space<vmem_shared>>)
    %dma_wait3A_718 = arith.constant 5 : i32
    %dma_wait3A_719 = arith.constant 0 : i32
    %dma_wait3A_720 = tpu.memref_slice %arg31[%dma_wait3A_718, %dma_wait3A_719] : memref<8x64xi32, #tpu.memory_space<vmem>> -> memref<1x64xi32, #tpu.memory_space<vmem>>
    %dma_wait3A_721 = tpu.memref_squeeze %dma_wait3A_720 : memref<1x64xi32, #tpu.memory_space<vmem>> -> memref<64xi32, #tpu.memory_space<vmem>>
    %dma_wait3A_722 = arith.constant 0 : i32
    %dma_wait3A_723 = arith.constant 0 : i32
    %dma_wait3A_724 = tpu.memref_slice %arg38[%dma_wait3A_722, %dma_wait3A_723] : memref<272x128xf32, #tpu.memory_space<vmem_shared>> -> memref<272x128xf32, #tpu.memory_space<vmem_shared>>
    tpu.wait_indirect_dma semaphore(%arg27 : memref<!tpu.dma_semaphore, #tpu.memory_space<semaphore_mem>>) src(%arg11 : memref<64x128xf32, #tpu.memory_space<vmem>>) dst(%dma_wait3A_724 : memref<272x128xf32, #tpu.memory_space<vmem_shared>>)
    %dma_wait3A_725 = arith.constant 6 : i32
    %dma_wait3A_726 = arith.constant 0 : i32
    %dma_wait3A_727 = tpu.memref_slice %arg31[%dma_wait3A_725, %dma_wait3A_726] : memref<8x64xi32, #tpu.memory_space<vmem>> -> memref<1x64xi32, #tpu.memory_space<vmem>>
    %dma_wait3A_728 = tpu.memref_squeeze %dma_wait3A_727 : memref<1x64xi32, #tpu.memory_space<vmem>> -> memref<64xi32, #tpu.memory_space<vmem>>
    %dma_wait3A_729 = arith.constant 0 : i32
    %dma_wait3A_730 = arith.constant 0 : i32
    %dma_wait3A_731 = tpu.memref_slice %arg38[%dma_wait3A_729, %dma_wait3A_730] : memref<272x128xf32, #tpu.memory_space<vmem_shared>> -> memref<272x128xf32, #tpu.memory_space<vmem_shared>>
    tpu.wait_indirect_dma semaphore(%arg28 : memref<!tpu.dma_semaphore, #tpu.memory_space<semaphore_mem>>) src(%arg12 : memref<64x128xf32, #tpu.memory_space<vmem>>) dst(%dma_wait3A_731 : memref<272x128xf32, #tpu.memory_space<vmem_shared>>)
    %dma_wait3A_732 = arith.constant 7 : i32
    %dma_wait3A_733 = arith.constant 0 : i32
    %dma_wait3A_734 = tpu.memref_slice %arg31[%dma_wait3A_732, %dma_wait3A_733] : memref<8x64xi32, #tpu.memory_space<vmem>> -> memref<1x64xi32, #tpu.memory_space<vmem>>
    %dma_wait3A_735 = tpu.memref_squeeze %dma_wait3A_734 : memref<1x64xi32, #tpu.memory_space<vmem>> -> memref<64xi32, #tpu.memory_space<vmem>>
    %dma_wait3A_736 = arith.constant 0 : i32
    %dma_wait3A_737 = arith.constant 0 : i32
    %dma_wait3A_738 = tpu.memref_slice %arg38[%dma_wait3A_736, %dma_wait3A_737] : memref<272x128xf32, #tpu.memory_space<vmem_shared>> -> memref<272x128xf32, #tpu.memory_space<vmem_shared>>
    tpu.wait_indirect_dma semaphore(%arg29 : memref<!tpu.dma_semaphore, #tpu.memory_space<semaphore_mem>>) src(%arg13 : memref<64x128xf32, #tpu.memory_space<vmem>>) dst(%dma_wait3A_738 : memref<272x128xf32, #tpu.memory_space<vmem_shared>>)
    %barrier3A_739 = arith.constant 0 : index
    tpu.barrier barrier_id(%barrier3A_739)
    %mul3A_740 = arith.constant 16 : i32
    %mul3A_741 = arith.muli %select_n3A_28, %mul3A_740 : i32
    %mul3A_742 = arith.constant 68 : i32
    %mul3A_743 = arith.muli %select_n3A, %mul3A_742 : i32
    %add3A_744 = arith.addi %mul3A_743, %mul3A_741 : i32
    %mul3A_745 = arith.constant 4 : i32
    %mul3A_746 = arith.muli %select_n3A, %mul3A_745 : i32
    %dma_start3A_747 = arith.constant 0 : i32
    %dma_start3A_748 = tpu.memref_slice %arg39[%mul3A_746, %dma_start3A_747] : memref<16x80xi32, #tpu.memory_space<vmem_shared>> -> memref<4x80xi32, #tpu.memory_space<vmem_shared>>
    %dma_start3A_749 = arith.constant 0 : i32
    %dma_start3A_750 = tpu.memref_slice %arg39[%mul3A_746, %dma_start3A_749] : memref<16x80xi32, #tpu.memory_space<vmem_shared>> -> memref<4x80xi32, #tpu.memory_space<vmem_shared>>
    tpu.enqueue_dma source(%dma_start3A_750 : memref<4x80xi32, #tpu.memory_space<vmem_shared>>) target(%arg33 : memref<4x80xi32, #tpu.memory_space<vmem>>) target_semaphore(%arg37 : memref<!tpu.dma_semaphore, #tpu.memory_space<semaphore_mem>>)
    %dma_start3A_751 = arith.constant 0 : i32
    %dma_start3A_752 = tpu.memref_slice %arg38[%add3A_744, %dma_start3A_751] : memref<272x128xf32, #tpu.memory_space<vmem_shared>> -> memref<16x128xf32, #tpu.memory_space<vmem_shared>>
    %dma_start3A_753 = arith.constant 0 : i32
    %dma_start3A_754 = tpu.memref_slice %arg38[%add3A_744, %dma_start3A_753] : memref<272x128xf32, #tpu.memory_space<vmem_shared>> -> memref<16x128xf32, #tpu.memory_space<vmem_shared>>
    tpu.enqueue_dma source(%dma_start3A_754 : memref<16x128xf32, #tpu.memory_space<vmem_shared>>) target(%arg35 : memref<16x128xf32, #tpu.memory_space<vmem>>) target_semaphore(%arg14 : memref<!tpu.dma_semaphore, #tpu.memory_space<semaphore_mem>>)
    %dma_wait3A_755 = arith.constant 0 : i32
    %dma_wait3A_756 = tpu.memref_slice %arg38[%add3A_744, %dma_wait3A_755] : memref<272x128xf32, #tpu.memory_space<vmem_shared>> -> memref<16x128xf32, #tpu.memory_space<vmem_shared>>
    %dma_wait3A_757 = arith.constant 0 : i32
    %dma_wait3A_758 = tpu.memref_slice %arg38[%add3A_744, %dma_wait3A_757] : memref<272x128xf32, #tpu.memory_space<vmem_shared>> -> memref<16x128xf32, #tpu.memory_space<vmem_shared>>
    tpu.wait_dma2 semaphore(%arg14 : memref<!tpu.dma_semaphore, #tpu.memory_space<semaphore_mem>>) src(%dma_wait3A_758 : memref<16x128xf32, #tpu.memory_space<vmem_shared>>) dst(%arg35 : memref<16x128xf32, #tpu.memory_space<vmem>>)
    %scan3A_759 = arith.constant 0 : i32
    %scan3A_760 = arith.constant 0 : i32
    %scan3A_761 = arith.constant 16 : i32
    %scan3A_762 = arith.addi %scan3A_760, %scan3A_761 : i32
    %scan3A_763 = arith.constant 1 : i32
    %scan3A_764 = scf.for %scan3A_805 = %scan3A_760 to %scan3A_762 step %scan3A_763 iter_args(%scan3A_806 = %scan3A_759) -> (i32)  : i32 {
      %get3A_807 = arith.index_cast %scan3A_805 : i32 to index
      %get3A_808 = arith.constant 0 : index
      %get3A_809 = tpu.vector_load %arg35[%get3A_807, %get3A_808] {strides = array<i32>} : memref<16x128xf32, #tpu.memory_space<vmem>>, vector<16xf32>,
      %mul3A_810 = arith.constant 4.8828125E-4 : f32
      %mul3A_811 = vector.broadcast %mul3A_810 : f32 to vector<16xf32>
      %mul3A_812 = arith.mulf %get3A_809, %mul3A_811 : vector<16xf32>
      %swap3A_813 = arith.index_cast %scan3A_805 : i32 to index
      %swap3A_814 = arith.constant 0 : index
      %swap3A_815 = tpu.vector_load %arg35[%swap3A_813, %swap3A_814] {strides = array<i32>} : memref<16x128xf32, #tpu.memory_space<vmem>>, vector<16xf32>,
      tpu.vector_store %arg35[%swap3A_813, %swap3A_814], %mul3A_812 {strides = array<i32>} : memref<16x128xf32, #tpu.memory_space<vmem>>, vector<16xf32>,
      %get3A_816 = arith.index_cast %scan3A_805 : i32 to index
      %get3A_817 = arith.constant 16 : index
      %get3A_818 = tpu.vector_load %arg35[%get3A_816, %get3A_817] {strides = array<i32>} : memref<16x128xf32, #tpu.memory_space<vmem>>, vector<16xf32>,
      %mul3A_819 = arith.constant 4.8828125E-4 : f32
      %mul3A_820 = vector.broadcast %mul3A_819 : f32 to vector<16xf32>
      %mul3A_821 = arith.mulf %get3A_818, %mul3A_820 : vector<16xf32>
      %swap3A_822 = arith.index_cast %scan3A_805 : i32 to index
      %swap3A_823 = arith.constant 16 : index
      %swap3A_824 = tpu.vector_load %arg35[%swap3A_822, %swap3A_823] {strides = array<i32>} : memref<16x128xf32, #tpu.memory_space<vmem>>, vector<16xf32>,
      tpu.vector_store %arg35[%swap3A_822, %swap3A_823], %mul3A_821 {strides = array<i32>} : memref<16x128xf32, #tpu.memory_space<vmem>>, vector<16xf32>,
      %get3A_825 = arith.index_cast %scan3A_805 : i32 to index
      %get3A_826 = arith.constant 32 : index
      %get3A_827 = tpu.vector_load %arg35[%get3A_825, %get3A_826] {strides = array<i32>} : memref<16x128xf32, #tpu.memory_space<vmem>>, vector<16xf32>,
      %mul3A_828 = arith.constant 4.8828125E-4 : f32
      %mul3A_829 = vector.broadcast %mul3A_828 : f32 to vector<16xf32>
      %mul3A_830 = arith.mulf %get3A_827, %mul3A_829 : vector<16xf32>
      %swap3A_831 = arith.index_cast %scan3A_805 : i32 to index
      %swap3A_832 = arith.constant 32 : index
      %swap3A_833 = tpu.vector_load %arg35[%swap3A_831, %swap3A_832] {strides = array<i32>} : memref<16x128xf32, #tpu.memory_space<vmem>>, vector<16xf32>,
      tpu.vector_store %arg35[%swap3A_831, %swap3A_832], %mul3A_830 {strides = array<i32>} : memref<16x128xf32, #tpu.memory_space<vmem>>, vector<16xf32>,
      %get3A_834 = arith.index_cast %scan3A_805 : i32 to index
      %get3A_835 = arith.constant 48 : index
      %get3A_836 = tpu.vector_load %arg35[%get3A_834, %get3A_835] {strides = array<i32>} : memref<16x128xf32, #tpu.memory_space<vmem>>, vector<16xf32>,
      %mul3A_837 = arith.constant 4.8828125E-4 : f32
      %mul3A_838 = vector.broadcast %mul3A_837 : f32 to vector<16xf32>
      %mul3A_839 = arith.mulf %get3A_836, %mul3A_838 : vector<16xf32>
      %swap3A_840 = arith.index_cast %scan3A_805 : i32 to index
      %swap3A_841 = arith.constant 48 : index
      %swap3A_842 = tpu.vector_load %arg35[%swap3A_840, %swap3A_841] {strides = array<i32>} : memref<16x128xf32, #tpu.memory_space<vmem>>, vector<16xf32>,
      tpu.vector_store %arg35[%swap3A_840, %swap3A_841], %mul3A_839 {strides = array<i32>} : memref<16x128xf32, #tpu.memory_space<vmem>>, vector<16xf32>,
      %get3A_843 = arith.index_cast %scan3A_805 : i32 to index
      %get3A_844 = arith.constant 64 : index
      %get3A_845 = tpu.vector_load %arg35[%get3A_843, %get3A_844] {strides = array<i32>} : memref<16x128xf32, #tpu.memory_space<vmem>>, vector<16xf32>,
      %mul3A_846 = arith.constant 4.8828125E-4 : f32
      %mul3A_847 = vector.broadcast %mul3A_846 : f32 to vector<16xf32>
      %mul3A_848 = arith.mulf %get3A_845, %mul3A_847 : vector<16xf32>
      %swap3A_849 = arith.index_cast %scan3A_805 : i32 to index
      %swap3A_850 = arith.constant 64 : index
      %swap3A_851 = tpu.vector_load %arg35[%swap3A_849, %swap3A_850] {strides = array<i32>} : memref<16x128xf32, #tpu.memory_space<vmem>>, vector<16xf32>,
      tpu.vector_store %arg35[%swap3A_849, %swap3A_850], %mul3A_848 {strides = array<i32>} : memref<16x128xf32, #tpu.memory_space<vmem>>, vector<16xf32>,
      %get3A_852 = arith.index_cast %scan3A_805 : i32 to index
      %get3A_853 = arith.constant 80 : index
      %get3A_854 = tpu.vector_load %arg35[%get3A_852, %get3A_853] {strides = array<i32>} : memref<16x128xf32, #tpu.memory_space<vmem>>, vector<16xf32>,
      %mul3A_855 = arith.constant 4.8828125E-4 : f32
      %mul3A_856 = vector.broadcast %mul3A_855 : f32 to vector<16xf32>
      %mul3A_857 = arith.mulf %get3A_854, %mul3A_856 : vector<16xf32>
      %swap3A_858 = arith.index_cast %scan3A_805 : i32 to index
      %swap3A_859 = arith.constant 80 : index
      %swap3A_860 = tpu.vector_load %arg35[%swap3A_858, %swap3A_859] {strides = array<i32>} : memref<16x128xf32, #tpu.memory_space<vmem>>, vector<16xf32>,
      tpu.vector_store %arg35[%swap3A_858, %swap3A_859], %mul3A_857 {strides = array<i32>} : memref<16x128xf32, #tpu.memory_space<vmem>>, vector<16xf32>,
      %get3A_861 = arith.index_cast %scan3A_805 : i32 to index
      %get3A_862 = arith.constant 96 : index
      %get3A_863 = tpu.vector_load %arg35[%get3A_861, %get3A_862] {strides = array<i32>} : memref<16x128xf32, #tpu.memory_space<vmem>>, vector<16xf32>,
      %mul3A_864 = arith.constant 4.8828125E-4 : f32
      %mul3A_865 = vector.broadcast %mul3A_864 : f32 to vector<16xf32>
      %mul3A_866 = arith.mulf %get3A_863, %mul3A_865 : vector<16xf32>
      %swap3A_867 = arith.index_cast %scan3A_805 : i32 to index
      %swap3A_868 = arith.constant 96 : index
      %swap3A_869 = tpu.vector_load %arg35[%swap3A_867, %swap3A_868] {strides = array<i32>} : memref<16x128xf32, #tpu.memory_space<vmem>>, vector<16xf32>,
      tpu.vector_store %arg35[%swap3A_867, %swap3A_868], %mul3A_866 {strides = array<i32>} : memref<16x128xf32, #tpu.memory_space<vmem>>, vector<16xf32>,
      %get3A_870 = arith.index_cast %scan3A_805 : i32 to index
      %get3A_871 = arith.constant 112 : index
      %get3A_872 = tpu.vector_load %arg35[%get3A_870, %get3A_871] {strides = array<i32>} : memref<16x128xf32, #tpu.memory_space<vmem>>, vector<16xf32>,
      %mul3A_873 = arith.constant 4.8828125E-4 : f32
      %mul3A_874 = vector.broadcast %mul3A_873 : f32 to vector<16xf32>
      %mul3A_875 = arith.mulf %get3A_872, %mul3A_874 : vector<16xf32>
      %swap3A_876 = arith.index_cast %scan3A_805 : i32 to index
      %swap3A_877 = arith.constant 112 : index
      %swap3A_878 = tpu.vector_load %arg35[%swap3A_876, %swap3A_877] {strides = array<i32>} : memref<16x128xf32, #tpu.memory_space<vmem>>, vector<16xf32>,
      tpu.vector_store %arg35[%swap3A_876, %swap3A_877], %mul3A_875 {strides = array<i32>} : memref<16x128xf32, #tpu.memory_space<vmem>>, vector<16xf32>,
      %scan3A_879 = arith.constant 0 : i32
      scf.yield %scan3A_879 : i32
    }
    %scan3A_765 = arith.constant 16 : i32
    %dma_start3A_766 = arith.constant 0 : i32
    %dma_start3A_767 = tpu.memref_slice %arg4[%add3A_32, %mul3A_741, %dma_start3A_766] : memref<8x64x128xf32, #tpu.memory_space<hbm>> -> memref<1x16x128xf32, #tpu.memory_space<hbm>>
    %dma_start3A_768 = tpu.memref_squeeze %dma_start3A_767 : memref<1x16x128xf32, #tpu.memory_space<hbm>> -> memref<16x128xf32, #tpu.memory_space<hbm>>
    %dma_start3A_769 = arith.constant 0 : i32
    %dma_start3A_770 = tpu.memref_slice %arg4[%add3A_32, %mul3A_741, %dma_start3A_769] : memref<8x64x128xf32, #tpu.memory_space<hbm>> -> memref<1x16x128xf32, #tpu.memory_space<hbm>>
    %dma_start3A_771 = tpu.memref_squeeze %dma_start3A_770 : memref<1x16x128xf32, #tpu.memory_space<hbm>> -> memref<16x128xf32, #tpu.memory_space<hbm>>
    tpu.enqueue_dma source(%arg35 : memref<16x128xf32, #tpu.memory_space<vmem>>) target(%dma_start3A_771 : memref<16x128xf32, #tpu.memory_space<hbm>>) target_semaphore(%arg15 : memref<!tpu.dma_semaphore, #tpu.memory_space<semaphore_mem>>)
    %dma_wait3A_772 = arith.constant 0 : i32
    %dma_wait3A_773 = tpu.memref_slice %arg39[%mul3A_746, %dma_wait3A_772] : memref<16x80xi32, #tpu.memory_space<vmem_shared>> -> memref<4x80xi32, #tpu.memory_space<vmem_shared>>
    %dma_wait3A_774 = arith.constant 0 : i32
    %dma_wait3A_775 = tpu.memref_slice %arg39[%mul3A_746, %dma_wait3A_774] : memref<16x80xi32, #tpu.memory_space<vmem_shared>> -> memref<4x80xi32, #tpu.memory_space<vmem_shared>>
    tpu.wait_dma2 semaphore(%arg37 : memref<!tpu.dma_semaphore, #tpu.memory_space<semaphore_mem>>) src(%dma_wait3A_775 : memref<4x80xi32, #tpu.memory_space<vmem_shared>>) dst(%arg33 : memref<4x80xi32, #tpu.memory_space<vmem>>)
    %get3A_776 = arith.constant 0 : i32
    %get3A_777 = arith.index_cast %get3A_776 : i32 to index
    %get3A_778 = arith.index_cast %mul3A_741 : i32 to index
    %get3A_779 = tpu.vector_load %arg33[%get3A_777, %get3A_778] {strides = array<i32>} : memref<4x80xi32, #tpu.memory_space<vmem>>, vector<16xi32>,
    %get3A_780 = arith.constant 1 : i32
    %get3A_781 = arith.index_cast %get3A_780 : i32 to index
    %get3A_782 = arith.index_cast %mul3A_741 : i32 to index
    %get3A_783 = tpu.vector_load %arg33[%get3A_781, %get3A_782] {strides = array<i32>} : memref<4x80xi32, #tpu.memory_space<vmem>>, vector<16xi32>,
    %max3A = arith.maxsi %get3A_779, %get3A_783 : vector<16xi32>
    %get3A_784 = arith.constant 2 : i32
    %get3A_785 = arith.index_cast %get3A_784 : i32 to index
    %get3A_786 = arith.index_cast %mul3A_741 : i32 to index
    %get3A_787 = tpu.vector_load %arg33[%get3A_785, %get3A_786] {strides = array<i32>} : memref<4x80xi32, #tpu.memory_space<vmem>>, vector<16xi32>,
    %max3A_788 = arith.maxsi %max3A, %get3A_787 : vector<16xi32>
    %get3A_789 = arith.constant 3 : i32
    %get3A_790 = arith.index_cast %get3A_789 : i32 to index
    %get3A_791 = arith.index_cast %mul3A_741 : i32 to index
    %get3A_792 = tpu.vector_load %arg33[%get3A_790, %get3A_791] {strides = array<i32>} : memref<4x80xi32, #tpu.memory_space<vmem>>, vector<16xi32>,
    %max3A_793 = arith.maxsi %max3A_788, %get3A_792 : vector<16xi32>
    %swap3A_794 = arith.constant 0 : index
    %swap3A_795 = tpu.vector_load %arg36[%swap3A_794] {strides = array<i32>} : memref<16xi32, #tpu.memory_space<vmem>>, vector<16xi32>,
    tpu.vector_store %arg36[%swap3A_794], %max3A_793 {strides = array<i32>} : memref<16xi32, #tpu.memory_space<vmem>>, vector<16xi32>,
    %mul3A_796 = arith.constant 64 : i32
    %mul3A_797 = arith.muli %add3A_32, %mul3A_796 : i32
    %add3A_798 = arith.addi %mul3A_797, %mul3A_741 : i32
    "tpu.region"() ({
      %run_scoped3A = tpu.sem_alloc : memref<!tpu.dma_semaphore, #tpu.memory_space<semaphore_mem>>
      %dma_start3A_805 = tpu.memref_slice %arg5[%add3A_798] : memref<512xi32, #tpu.memory_space<hbm>> -> memref<16xi32, #tpu.memory_space<hbm>>
      %dma_start3A_806 = tpu.memref_slice %arg5[%add3A_798] : memref<512xi32, #tpu.memory_space<hbm>> -> memref<16xi32, #tpu.memory_space<hbm>>
      tpu.enqueue_dma source(%arg36 : memref<16xi32, #tpu.memory_space<vmem>>) target(%dma_start3A_806 : memref<16xi32, #tpu.memory_space<hbm>>) target_semaphore(%run_scoped3A : memref<!tpu.dma_semaphore, #tpu.memory_space<semaphore_mem>>)
      %dma_wait3A_807 = tpu.memref_slice %arg5[%add3A_798] : memref<512xi32, #tpu.memory_space<hbm>> -> memref<16xi32, #tpu.memory_space<hbm>>
      %dma_wait3A_808 = tpu.memref_slice %arg5[%add3A_798] : memref<512xi32, #tpu.memory_space<hbm>> -> memref<16xi32, #tpu.memory_space<hbm>>
      tpu.wait_dma2 semaphore(%run_scoped3A : memref<!tpu.dma_semaphore, #tpu.memory_space<semaphore_mem>>) src(%arg36 : memref<16xi32, #tpu.memory_space<vmem>>) dst(%dma_wait3A_808 : memref<16xi32, #tpu.memory_space<hbm>>)
      tpu.yield
    }) : () -> ()
    %dma_wait3A_799 = arith.constant 0 : i32
    %dma_wait3A_800 = tpu.memref_slice %arg4[%add3A_32, %mul3A_741, %dma_wait3A_799] : memref<8x64x128xf32, #tpu.memory_space<hbm>> -> memref<1x16x128xf32, #tpu.memory_space<hbm>>
    %dma_wait3A_801 = tpu.memref_squeeze %dma_wait3A_800 : memref<1x16x128xf32, #tpu.memory_space<hbm>> -> memref<16x128xf32, #tpu.memory_space<hbm>>
    %dma_wait3A_802 = arith.constant 0 : i32
    %dma_wait3A_803 = tpu.memref_slice %arg4[%add3A_32, %mul3A_741, %dma_wait3A_802] : memref<8x64x128xf32, #tpu.memory_space<hbm>> -> memref<1x16x128xf32, #tpu.memory_space<hbm>>
    %dma_wait3A_804 = tpu.memref_squeeze %dma_wait3A_803 : memref<1x16x128xf32, #tpu.memory_space<hbm>> -> memref<16x128xf32, #tpu.memory_space<hbm>>
    tpu.wait_dma2 semaphore(%arg15 : memref<!tpu.dma_semaphore, #tpu.memory_space<semaphore_mem>>) src(%arg35 : memref<16x128xf32, #tpu.memory_space<vmem>>) dst(%dma_wait3A_804 : memref<16x128xf32, #tpu.memory_space<hbm>>)
    return
  }
}

</mosaic_0001>

<sc_bundles>
// kernel: kernel.3.cloned.1.call-start
scs
__scs_entry_jumppad:
0x0: {  	(pc) =	sbr.rel $0x88, $3  }
0x1: {  	(tag) =	ssettag $0x0;
	lr =	simm.s32 $0x1  }
0x2: {  	[smem:$0x3F9F] =	sst lr;
	_ =	strace $0xD0000000  }
0x3: {  	_ = 	snop  }
0x4: {  	_ = 	snop  }
0x5: {  	_ = 	snop  }
0x6: {  	_ = 	snop  }
0x7: {  	_ = 	snop  }
__scs_overlays_trampoline_lowered:
0x8: {  	[smem:$0x3FAE] =	sst s0  }
0x9: {  	[smem:$0x3FAF] =	sst s1  }
0xa: {  	[smem:$0x3FB0] =	sst s2  }
0xb: {  	[smem:$0x3FB1] =	sst s3  }
0xc: {  	[smem:$0x3FB2] =	sst s4  }
0xd: {  	[smem:$0x3FB3] =	sst s5  }
0xe: {  	[smem:$0x3FB4] =	sst s6  }
0xf: {  	[smem:$0x3FB5] =	sst s7  }
0x10: {  	[smem:$0x3FB6] =	sst s8  }
0x11: {  	[smem:$0x3FB7] =	sst s9;
	s0 =	simm.s32 @!p0 $0x0  }
0x12: {  	s1 =	sld [smem:$0x3F9D];
	s0 =	simm.s32 @p0 $0x1  }
0x13: {  	[smem:$0x3FB8] =	sst s0;
	s0 =	simm.s32 @!p1 $0x0  }
0x14: {  	s2 =	sld [smem:$0x3F9C];
	s0 =	simm.s32 @p1 $0x1  }
0x15: {  	[smem:$0x3FB9] =	sst s0;
	s0 =	simm.s32 @!p2 $0x0  }
0x16: {  	s3 =	sld [smem:$0x3FDB];
	s0 =	simm.s32 @p2 $0x1  }
0x17: {  	s4 =	simm.s32 $0x1BF5;
	[smem:$0x3FBB] =	sst s0  }
0x18: {  	s0 =	sld [smem:$0x3F9E];
	_ =	swait.ge [sflag:s4], $0x0  }
0x19: {  	s7 =	sld [smem:$0x3F9F]  }
0x1a: {  	s8 =	sadd.s32 $0xFFFFE003, lr  }
0x1b: {  	s9 =	sadd.s32 $0xFFFFFEF7, lr;
	s5 =	simm.s32 $0xFFFFFFFF;
	p2 =	slt.u32 s8, $0xFFFFF086  }
0x1c: {  	p1 =	slt.u32 s9, $0xF7A;
	s5 =	simm.s32 @!p2 $0x0  }
0x1d: {  	s5 =	simm.s32 @p1 $0x1;
	p0 =	seq.s32 s7, s2  }
0x1e: {  	s7 =	smul.u32 @!p0 $0xF7A, s2;
	p2 =	seq.s32 @!p0 s5, $0x0  }
0x1f: {  	s9 =	smul.u32 $0xF7A, s1;
	s8 =	simm.s32 @!p0 $0x1BF5;
	p2 =	por !p2, p0  }
0x20: {  	[sflag:s8] =	ssyncset.s32 @!p0 $0xFFFFF086;
	s6 =	sadd.s32 @!p0 s3, s7;
	s7 =	simm.s32 @!p0 $0x108  }
0x21: {  	s3 =	sadd.s32 s3, s9;
	s6 =	sadd.s32 @!p0 $0x88, s6;
	s7 =	simm.s32 @p2 $0x1082  }
0x22: {  	[simem:s7], [sflag:s8] =	dma.local @!p0 [hbm:s6], $0xF7A  }
0x23: {  	s9 =	sor.u32 $0xD0000000, s2;
	s6 =	simm.s32 $0x108;
	_ =	swait.ge @!p0 [sflag:s8], $0x0  }
0x24: {  	s3 =	sadd.s32 $0x88, s3;
	s6 =	simm.s32 @!p1 $0x1082;
	[sflag:s4] =	ssyncset.s32 $0xFFFFF086  }
0x25: {  	[simem:s6], [sflag:s4] =	dma.local [hbm:s3], $0xF7A  }
0x26: {  	[smem:$0x3F9F] =	sst s1;
	(tag) =	ssettag s2;
	_ =	strace s9  }
0x27: {  	s1 =	sld [smem:$0x3FAF]  }
0x28: {  	s2 =	sld [smem:$0x3FB0]  }
0x29: {  	s4 =	sld [smem:$0x3FB2]  }
0x2a: {  	p0 =	seq.s32 s5, $0x0;
	s5 =	sld [smem:$0x3FB3]  }
0x2b: {  	s6 =	sld [smem:$0x3FB4]  }
0x2c: {  	s7 =	sld [smem:$0x3FB5]  }
0x2d: {  	s3 =	simm.s32 $0x108;
	s8 =	sld [smem:$0x3FB6]  }
0x2e: {  	s3 =	simm.s32 @!p0 $0x1082;
	s9 =	sld [smem:$0x3FB7]  }
0x2f: {  	lr =	sadd.s32 s0, s3;
	s0 =	sld [smem:$0x3FAE]  }
0x30: {  	s3 =	sld [smem:$0x3FB1]  }
0x31: {  	[smem:$0x3FBA] =	sst s10  }
0x32: {  	s10 =	sld [smem:$0x3FB8];
	_ =	sdelay $0x3  }
0x33: {  	p0 =	seq.s32 s10, $0x1;
	s10 =	sld [smem:$0x3FBA];
	_ =	sdelay $0x3  }
0x34: {  	[smem:$0x3FBA] =	sst s10  }
0x35: {  	s10 =	sld [smem:$0x3FB9];
	_ =	sdelay $0x3  }
0x36: {  	p1 =	seq.s32 s10, $0x1;
	s10 =	sld [smem:$0x3FBA];
	_ =	sdelay $0x3  }
0x37: {  	[smem:$0x3FBA] =	sst s10  }
0x38: {  	s10 =	sld [smem:$0x3FBB]  }
0x39: {  	_ = 	snop;
	(pc) =	sbr.ind lr, $3  }
0x3a: {  	_ = 	snop  }
0x3b: {  	_ = 	snop  }
0x3c: {  	p2 =	seq.s32 s10, $0x1;
	s10 =	sld [smem:$0x3FBA]  }
0x3d: {  	_ =	shalt  }
0x3e: {  	_ =	shalt  }
0x3f: {  	_ =	shalt  }
0x40: {  	_ =	shalt  }
0x41: {  	_ =	shalt  }
0x42: {  	_ =	shalt  }
0x43: {  	_ =	shalt  }
0x44: {  	_ =	shalt  }
0x45: {  	_ =	shalt  }
0x46: {  	_ =	shalt  }
0x47: {  	_ =	shalt  }
0x48: {  	_ =	shalt  }
0x49: {  	_ =	shalt  }
0x4a: {  	_ =	shalt  }
0x4b: {  	_ =	shalt  }
0x4c: {  	_ =	shalt  }
0x4d: {  	_ =	shalt  }
0x4e: {  	_ =	shalt  }
0x4f: {  	_ =	shalt  }
0x50: {  	_ =	shalt  }
0x51: {  	_ =	shalt  }
0x52: {  	_ =	shalt  }
0x53: {  	_ =	shalt  }
0x54: {  	_ =	shalt  }
0x55: {  	_ =	shalt  }
0x56: {  	_ =	shalt  }
0x57: {  	_ =	shalt  }
0x58: {  	_ =	shalt  }
0x59: {  	_ =	shalt  }
0x5a: {  	_ =	shalt  }
0x5b: {  	_ =	shalt  }
0x5c: {  	_ =	shalt  }
0x5d: {  	_ =	shalt  }
0x5e: {  	_ =	shalt  }
0x5f: {  	_ =	shalt  }
0x60: {  	_ =	shalt  }
0x61: {  	_ =	shalt  }
0x62: {  	_ =	shalt  }
0x63: {  	_ =	shalt  }
0x64: {  	_ =	shalt  }
0x65: {  	_ =	shalt  }
0x66: {  	_ =	shalt  }
0x67: {  	_ =	shalt  }
0x68: {  	_ =	shalt  }
0x69: {  	_ =	shalt  }
0x6a: {  	_ =	shalt  }
0x6b: {  	_ =	shalt  }
0x6c: {  	_ =	shalt  }
0x6d: {  	_ =	shalt  }
0x6e: {  	_ =	shalt  }
0x6f: {  	_ =	shalt  }
0x70: {  	_ =	shalt  }
0x71: {  	_ =	shalt  }
0x72: {  	_ =	shalt  }
0x73: {  	_ =	shalt  }
0x74: {  	_ =	shalt  }
0x75: {  	_ =	shalt  }
0x76: {  	_ =	shalt  }
0x77: {  	_ =	shalt  }
0x78: {  	_ =	shalt  }
0x79: {  	_ =	shalt  }
0x7a: {  	_ =	shalt  }
0x7b: {  	_ =	shalt  }
0x7c: {  	_ =	shalt  }
0x7d: {  	_ =	shalt  }
0x7e: {  	_ =	shalt  }
0x7f: {  	_ =	shalt  }
0x80: {  	_ =	shalt  }
0x81: {  	_ =	shalt  }
0x82: {  	_ =	shalt  }
0x83: {  	_ =	shalt  }
0x84: {  	_ =	shalt  }
0x85: {  	_ =	shalt  }
0x86: {  	_ =	shalt  }
0x87: {  	_ =	shalt  }
.Lfunc_end0:
.L_simem_size_0:
called_computation_lowered:
.L_overlay_start_0:
0x88: {  	s2 =	sld [smem:$0x3FD9]  }
0x89: {  	s3 =	sld [smem:$0x3FFE];
	_ =	sdelay $0x1  }
0x8a: {  	s1 =	srdreg.scid  }
0x8b: {  	s0 =	sand.u32 $0x1, s1  }
0x8c: {  	s14 =	sshll.u32 s0, $0xA;
	s2 =	sadd.s32 s3, s2  }
0x8d: {  	s2 =	sadd.s32 s2, s14  }
0x8e: {  	[smem:$0x3FC6] =	sst s2  }
0x8f: {  	_ = 	snop  }
0x90: {  	s2 =	sld [smem:$0x3FD0];
	_ =	sdelay $0x2  }
0x91: {  	s4 =	simm.s32 $0xA;
	s5 =	simm.s32 $0x10;
	s15 =	sld [smem:$0x3FC9]  }
0x92: {  	[smem:s5], [sflag:s4] =	dma.local [hbm:s2], $0x1  }
0x93: {  	_ =	swait.eq [sflag:s4], $0x1  }
0x94: {  	[sflag:s4] =	ssyncset.done $0x0  }
0x95: {  	[sflag:s4] =	ssyncadd.s32 $0xFFFFFFFF  }
0x96: {  	s16 =	sld [smem:$0x10];
	(tm) =	ssettm $0x1  }
0x97: {  	s17 =	sld [smem:$0x3FFB];
	_ =	sdelay $0x3  }
0x98: {  	_ =	strace s17  }
0x99: {  	s4 =	sld [smem:$0x3FFC];
	_ =	sdelay $0x3  }
0x9a: {  	_ =	strace s4  }
0x9b: {  	s4 =	sld [smem:$0x3FFD];
	_ =	sdelay $0x3  }
0x9c: {  	_ =	strace s4  }
0x9d: {  	_ =	strace $0x8FFFFFFF  }
0x9e: {  	s18 =	sld [smem:$0x3FDB];
	_ =	sdelay $0x1  }
0x9f: {  	s19 =	simm.s32 $_scs_section_size  }
0xa0: {  	s6 =	simm.s32 $_size__tile_overlayer_lowered;
	s7 =	simm.s32 $_tile_overlayer_lowered  }
0xa1: {  	s22 =	simm.s32 $0x1BFF;
	s21 =	sshll.u32 s7, $0x1;
	s4 =	sadd.s32 s19, s18  }
0xa2: {  	s8 =	simm.s32 $0x0;
	s20 =	sshll.u32 s6, $0x1;
	s6 =	sadd.s32 s21, s4  }
0xa3: {  	[timem:s8], [sflag:s22] =	dma.local [hbm:s6], s20  }
0xa4: {  	_ =	swait.ge [sflag:s22], s20  }
0xa5: {  	s5 =	ssub.s32 $0x0, s20;
	[sflag:s22] =	ssyncset.done $0x0  }
0xa6: {  	[sflag:s22] =	ssyncadd.s32 s5;
	_ =	sdelay $0x1  }
0xa7: {  	s23 =	simm.s32 $0x1B8B  }
0xa8: {  	_ =	swait.ge [sflag:s23], $0x1  }
0xa9: {  	[sflag:s23] =	ssyncset.done $0x0  }
0xaa: {  	s25 =	simm.s32 $0x1B8E;
	s24 =	sld [smem:$0x3FFE];
	[sflag:s23] =	ssyncadd.s32 $0xFFFFFFFF  }
0xab: {  	s26 =	simm.s32 $execute0_lowered;
	[smem:$0x3FD2] =	sst s25  }
0xac: {  	s6 =	sshll.u32 s26, $0x1;
	_ =	strace $0x80000046;
	[dreg:$0x1] =	wrdreg $0xFFFFFFFF  }
0xad: {  	s28 =	simm.s32 $_size_execute0_lowered;
	s4 =	sadd.s32 s4, s6;
	[dreg:$0x0] =	wrdreg $0x0  }
0xae: {  	s6 =	sshll.u32 s28, $0x1;
	[dreg:$0x2] =	wrdreg s4  }
0xaf: {  	[dreg:$0x3] =	wrdreg s6  }
0xb0: {  	[dreg:$0x4] =	wrdreg $0xC0  }
0xb1: {  	_ =	task [dreg:s8], $0x5FFFF  }
0xb2: {  	[dreg:$0x1] =	wrdreg $0xFFFFFFFF  }
0xb3: {  	[dreg:$0x0] =	wrdreg $0x60  }
0xb4: {  	[dreg:$0x2] =	wrdreg s15  }
0xb5: {  	[dreg:$0x3] =	wrdreg s24  }
0xb6: {  	[dreg:$0x4] =	wrdreg s16  }
0xb7: {  	[dreg:$0x5] =	wrdreg $0x11D000  }
0xb8: {  	[dreg:$0x6] =	wrdreg $0x125800  }
0xb9: {  	[dreg:$0x7] =	wrdreg $0x9  }
0xba: {  	_ =	task.clear_ibuf [dreg:s8], $0x8FFFF;
	_ =	strace $0x90000046  }
0xbb: {  	s29 =	simm.s32 $0x9;
	_ =	strace $0x80000048  }
0xbc: {  	_ =	swait.ge [sflag:s29], $0x1  }
0xbd: {  	[sflag:s29] =	ssyncadd.s32 $0xFFFFFFFF  }
0xbe: {  	_ =	strace $0x90000048  }
0xbf: {  	_ =	sfence  }
0xc0: {  	s30 =	sld [smem:$0x0];
	_ =	sdelay $0x2  }
0xc1: {  	s31 =	sshll.u32 s1, $0xD;
	s1 =	sshrl.u32 s1, $0x2  }
0xc2: {  	s3 =	sand.u32 $0x4000, s31;
	s1 =	sadd.s32 s1, s30  }
0xc3: {  	s0 =	sor.u32 s3, s0;
	s1 =	sshll.u32 s1, $0x11  }
0xc4: {  	s0 =	sor.u32 s1, s0  }
0xc5: {  	s0 =	sadd.s32 $0x8F2B, s0  }
0xc6: {  	[sflag:s0] =	ssyncadd.remote.s32 $0x1  }
0xc7: {  	_ =	sfence.sel $0xFFFF  }
0xc8: {  	[dreg:$0x0] =	wrdreg $0xFFFFFFFF;
	(pc) =	sbr.abs _section_cstart, $3  }
0xc9: {  	[dreg:$0x1] =	wrdreg $0xFFFFFFFF  }
0xca: {  	_ =	task.clear_ibuf [dreg:s8], $0x2FFFF;
	_ =	strace $0x9FFFFFFF  }
0xcb: {  	(tm) =	ssettm $0x7FFFFFFF  }
tec
execute0_lowered:
.L_overlay_start_1:
0x0: {  	(tag) =	ssettag $0x1  }
0x1: {  	s0 =	rddreg [dreg:$0x0]  }
0x2: {  	s5 =	rddreg [dreg:$0x1]  }
0x3: {  	s6 =	rddreg [dreg:$0x2]  }
0x4: {  	s1 =	srdreg.scid;
	s2 =	rddreg [dreg:$0x3]  }
0x5: {  	s16 =	stileid.u32;
	s10 =	rddreg [dreg:$0x4]  }
0x6: {  	s4 =	simm.s32 $0x0;
	s28 =	simm.s32 $0x2000;
	s29 =	simm.s32 $0xE000  }
0x7: {  	s31 =	simm.s32 $0x12;
	s30 =	simm.s32 $0x40;
	s1 =	sand.u32 $0x1, s1  }
0x8: {  	s7 =	sshrl.u32 s16, $0x2;
	s8 =	sand.u32 $0x3, s16;
	[smem:$0x7FF] =	sst s4  }
0x9: {  	s19 =	sshll.u32 s16, $0x7;
	s3 =	sshll.u32 s1, $0x2;
	s12 =	sshll.u32 s8, $0x6  }
0xa: {  	_ =	strace $0x80000047;
	s1 =	ssub.s32 $0x2, s1;
	s13 =	sshll.u32 s8, $0xD  }
0xb: {  	s20 =	sadd.s32 s19, s10;
	s21 =	sshll.u32 s7, $0x9;
	s9 =	sor.u32 s7, s3  }
0xc: {  	s3 =	sshll.u32 s8, $0x4;
	s12 =	sadd.s32 s12, s5;
	s14 =	sshrl.u32 s1, $0x1  }
0xd: {  	[dreg:$0xf] =	wrdreg s20;
	s11 =	sshll.u32 s9, $0x6;
	s23 =	sshll.u32 s9, $0xF  }
0xe: {  	s15 =	sshll.u32 s9, $0x8;
	s1 =	ssub.s32 s1, s14;
	s11 =	sor.u32 s3, s11  }
0xf: {  	s14 =	smul.u32 $0x2200, s16;
	s16 =	simm.s32 $0xC;
	s11 =	sshrl.u32 s11, $0x3  }
0x10: {  	s12 =	sadd.s32 s15, s12;
	s11 =	sadd.s32 s11, s5;
	s5 =	sor.u32 s13, s23  }
0x11: {  	s20 =	smax.u32 s1, $0x1;
	s24 =	sadd.s32 $0x800, s12;
	s5 =	sadd.s32 s0, s5  }
0x12: {  	s1 =	simm.s32 $0x11;
	[dreg:$0x6] =	wrdreg s24;
	s25 =	sadd.s32 $0x400, s5  }
0x13: {  	s23 =	sshll.u32 s8, $0x8;
	s26 =	sadd.s32 $0x800, s5;
	[dreg:$0x7] =	wrdreg s25  }
0x14: {  	s24 =	sshll.u32 s9, $0xA;
	s12 =	sadd.s32 $0xC00, s5;
	[dreg:$0x8] =	wrdreg s26  }
0x15: {  	s8 =	simm.s32 $0x4;
	s13 =	sadd.s32 $0x1000, s5;
	[dreg:$0x9] =	wrdreg s12  }
0x16: {  	s9 =	simm.s32 $0x5;
	s15 =	sadd.s32 $0x1400, s5;
	[dreg:$0xa] =	wrdreg s13  }
0x17: {  	s0 =	sshrl.u32 s14, $0x2;
	s17 =	sadd.s32 $0x1800, s5;
	[dreg:$0xb] =	wrdreg s15  }
0x18: {  	s14 =	simm.s32 $0xA;
	s18 =	sadd.s32 $0x1C00, s5;
	[dreg:$0xc] =	wrdreg s17  }
0x19: {  	s0 =	sadd.s32 s0, s2;
	[dreg:$0xd] =	wrdreg s18;
	s17 =	smul.u32 $0x44, s7  }
0x1a: {  	[dreg:$0xe] =	wrdreg s0;
	s0 =	sadd.s32 s21, s10;
	s26 =	sadd.s32 $0x1000, s11  }
0x1b: {  	s21 =	simm.s32 $0x1;
	s10 =	simm.s32 $0x6;
	s11 =	simm.s32 $0x7  }
0x1c: {  	s12 =	simm.s32 $0x8;
	s13 =	simm.s32 $0x9;
	s15 =	simm.s32 $0xB  }
0x1d: {  	s18 =	simm.s32 $0x0;
	[dreg:$0x10] =	wrdreg s0;
	s0 =	sadd.s32 s6, s23  }
0x1e: {  	[dreg:$0x13] =	wrdreg s26;
	s6 =	simm.s32 $0x2;
	s23 =	simm.s32 $0xE  }
0x1f: {  	s22 =	sadd.s32 s3, s17;
	s0 =	sadd.s32 s24, s0;
	s24 =	simm.s32 $0xF  }
0x20: {  	v0 =	vmov s17;
	s17 =	simm.s32 $0x10;
	s7 =	sshll.u32 s22, $0x7;
	[dreg:$0x12] =	wrdreg s0  }
0x21: {  	s0 =	simm.s32 $0x10600;
	s22 =	simm.s32 $0xD;
	s25 =	sadd.s32 s7, s2  }
0x22: {  	v1 =	vimm.f32 $0.0e+00;
	v2 =	vimm.s32 $0x0;
	v3 =	vimm.s32 $0x1;
	s7 =	simm.s32 $0x3;
	[dreg:$0x11] =	wrdreg s25;
	s25 =	simm.s32 $0x11480  }
.LBB2_1:
0x23: {  	s19 =	rddreg [dreg:$0x6];
	s26 =	simm.s32 $0x10000  }
0x24: {  	[tilespmem:s26], [sflag:$0x11] =	stream.linear.gather [hbm4b:s19+s4], $0x200, $0x38;
	[tilespmem:$0x125D0] =	vst v63  }
0x25: {  	_ = 	snop  }
0x26: {  	[tilespmem:s4], [sflag:$0x1] =	stream.linear.gather [hbm4b:s5+s4], $0x2000, $0x38;
	[tilespmem:$0x125D0] =	vst v63  }
0x27: {  	s26 =	rddreg [dreg:$0x7]  }
0x28: {  	[tilespmem:s28], [sflag:$0x2] =	stream.linear.gather [hbm4b:s26+s4], $0x2000, $0x38;
	[tilespmem:$0x125D0] =	vst v63  }
0x29: {  	s19 =	rddreg [dreg:$0x8];
	s26 =	simm.s32 $0x4000  }
0x2a: {  	[tilespmem:s26], [sflag:$0x3] =	stream.linear.gather [hbm4b:s19+s4], $0x2000, $0x38;
	[tilespmem:$0x125D0] =	vst v63  }
0x2b: {  	s19 =	rddreg [dreg:$0x9];
	s26 =	simm.s32 $0x6000  }
0x2c: {  	[tilespmem:s26], [sflag:$0x4] =	stream.linear.gather [hbm4b:s19+s4], $0x2000, $0x38;
	[tilespmem:$0x125D0] =	vst v63  }
0x2d: {  	s19 =	rddreg [dreg:$0xa];
	s26 =	simm.s32 $0x8000  }
0x2e: {  	[tilespmem:s26], [sflag:$0x5] =	stream.linear.gather [hbm4b:s19+s4], $0x2000, $0x38;
	[tilespmem:$0x125D0] =	vst v63  }
0x2f: {  	s19 =	rddreg [dreg:$0xb];
	s26 =	simm.s32 $0xA000  }
0x30: {  	[tilespmem:s26], [sflag:$0x6] =	stream.linear.gather [hbm4b:s19+s4], $0x2000, $0x38;
	[tilespmem:$0x125D0] =	vst v63  }
0x31: {  	s19 =	rddreg [dreg:$0xc];
	s26 =	simm.s32 $0xC000  }
0x32: {  	[tilespmem:s26], [sflag:$0x7] =	stream.linear.gather [hbm4b:s19+s4], $0x2000, $0x38;
	[tilespmem:$0x125D0] =	vst v63  }
0x33: {  	s26 =	rddreg [dreg:$0xd]  }
0x34: {  	[tilespmem:s29], [sflag:$0x8] =	stream.linear.gather [hbm4b:s26+s4], $0x2000, $0x38;
	[tilespmem:$0x125D0] =	vst v63  }
0x35: {  	s19 =	simm.s32 $0x0;
	s26 =	simm.s32 $0x200  }
.LBB2_2:
0x36: {  	p0 =	sne.s32 s26, $0x2000;
	[tilespmem:s19+$0x108F0] =	vst v1  }
0x37: {  	[tilespmem:s19+$0x10880] =	vst v1  }
0x38: {  	[tilespmem:s19+$0x10890] =	vst v1  }
.Ltmp0:
0x39: {  	[tilespmem:s19+$0x108A0] =	vst v1;
	(pc) =	sbr.rel @p0 .LBB2_2-.Ltmp0, $4  }
0x3a: {  	[tilespmem:s19+$0x108B0] =	vst v1  }
0x3b: {  	[tilespmem:s19+$0x108C0] =	vst v1  }
0x3c: {  	[tilespmem:s19+$0x108D0] =	vst v1  }
0x3d: {  	[tilespmem:s19+$0x108E0] =	vst v1;
	s19 =	sshra.s32 s26, $0x2;
	s26 =	sadd.s32 $0x200, s26  }
0x3e: {  	[tilespmem:s19+$0x108F0] =	vst v1  }
0x3f: {  	[tilespmem:s19+$0x10880] =	vst v1  }
0x40: {  	[tilespmem:s19+$0x10890] =	vst v1  }
0x41: {  	[tilespmem:s19+$0x108A0] =	vst v1  }
0x42: {  	[tilespmem:s19+$0x108B0] =	vst v1  }
0x43: {  	[tilespmem:s19+$0x108C0] =	vst v1  }
0x44: {  	[tilespmem:s19+$0x108D0] =	vst v1  }
0x45: {  	[tilespmem:s19+$0x108E0] =	vst v1;
	s19 =	rddreg [dreg:$0xe];
	s26 =	simm.s32 $0x10880  }
0x46: {  	[spmem:s19] =	stream.linear.scatter [tilespmem:s26], [sflag:$0x12], $0x880, $0x38;
	[tilespmem:$0x125D0] =	vst v63  }
0x47: {  	_ =	swait.ge [sflag:s31], $0x880  }
0x48: {  	[sflag:s31] =	ssyncset.done $0x0  }
0x49: {  	[sflag:s31] =	ssyncadd.s32 $0xFFFFF780  }
0x4a: {  	[tilespmem:$0x10600] =	vst v2  }
0x4b: {  	[tilespmem:$0x10610] =	vst v2  }
0x4c: {  	[tilespmem:$0x10620] =	vst v2  }
0x4d: {  	[tilespmem:$0x10630] =	vst v2  }
0x4e: {  	[tilespmem:$0x10640] =	vst v2  }
0x4f: {  	_ =	swait.ge [sflag:s1], $0x200  }
0x50: {  	[sflag:s1] =	ssyncset.done $0x0  }
0x51: {  	[sflag:s1] =	ssyncadd.s32 $0xFFFFFE00  }
0x52: {  	v4 =	vld [tilespmem:$0x10000];
	_ =	sdelay $0x4  }
0x53: {  	vm0 =	vlt.s32 v4, $0x0  }
0x54: {  	v4 =	vsel vm0, $0x40, v4;
	_ =	sdelay $0x2  }
0x55: {  	v5 =	vadd.s32 v0, v4  }
0x56: {  	[tilespmem:$0x10200] =	vst v5  }
0x57: {  	[tilespmem:v4+s0+$0x0] =	vst.idx.msk $0xffff, v3  }
0x58: {  	v4 =	vld [tilespmem:$0x10010];
	_ =	sdelay $0x4  }
0x59: {  	vm9 =	vlt.s32 v4, $0x0  }
0x5a: {  	v4 =	vsel vm9, $0x40, v4;
	_ =	sdelay $0x2  }
0x5b: {  	v5 =	vadd.s32 v0, v4  }
0x5c: {  	[tilespmem:$0x10210] =	vst v5  }
0x5d: {  	[tilespmem:v4+s0+$0x0] =	vst.idx.msk $0xffff, v3  }
0x5e: {  	v4 =	vld [tilespmem:$0x10020];
	_ =	sdelay $0x4  }
0x5f: {  	vm10 =	vlt.s32 v4, $0x0  }
0x60: {  	v4 =	vsel vm10, $0x40, v4;
	_ =	sdelay $0x2  }
0x61: {  	v5 =	vadd.s32 v0, v4  }
0x62: {  	[tilespmem:$0x10220] =	vst v5  }
0x63: {  	[tilespmem:v4+s0+$0x0] =	vst.idx.msk $0xffff, v3  }
0x64: {  	v4 =	vld [tilespmem:$0x10030];
	_ =	sdelay $0x4  }
0x65: {  	vm11 =	vlt.s32 v4, $0x0  }
0x66: {  	v4 =	vsel vm11, $0x40, v4;
	_ =	sdelay $0x2  }
0x67: {  	v5 =	vadd.s32 v0, v4  }
0x68: {  	[tilespmem:$0x10230] =	vst v5  }
0x69: {  	[tilespmem:v4+s0+$0x0] =	vst.idx.msk $0xffff, v3  }
0x6a: {  	v4 =	vld [tilespmem:$0x10040];
	_ =	sdelay $0x4  }
0x6b: {  	vm12 =	vlt.s32 v4, $0x0  }
0x6c: {  	v4 =	vsel vm12, $0x40, v4;
	_ =	sdelay $0x2  }
0x6d: {  	v5 =	vadd.s32 v0, v4  }
0x6e: {  	[tilespmem:$0x10280] =	vst v5  }
0x6f: {  	[tilespmem:v4+s0+$0x0] =	vst.idx.msk $0xffff, v3  }
0x70: {  	v4 =	vld [tilespmem:$0x10050];
	_ =	sdelay $0x4  }
0x71: {  	vm13 =	vlt.s32 v4, $0x0  }
0x72: {  	v4 =	vsel vm13, $0x40, v4;
	_ =	sdelay $0x2  }
0x73: {  	v5 =	vadd.s32 v0, v4  }
0x74: {  	[tilespmem:$0x10290] =	vst v5  }
0x75: {  	[tilespmem:v4+s0+$0x0] =	vst.idx.msk $0xffff, v3  }
0x76: {  	v4 =	vld [tilespmem:$0x10060];
	_ =	sdelay $0x4  }
0x77: {  	vm14 =	vlt.s32 v4, $0x0  }
0x78: {  	v4 =	vsel vm14, $0x40, v4;
	_ =	sdelay $0x2  }
0x79: {  	v5 =	vadd.s32 v0, v4  }
0x7a: {  	[tilespmem:$0x102A0] =	vst v5  }
0x7b: {  	[tilespmem:v4+s0+$0x0] =	vst.idx.msk $0xffff, v3  }
0x7c: {  	v4 =	vld [tilespmem:$0x10070];
	_ =	sdelay $0x4  }
0x7d: {  	vm15 =	vlt.s32 v4, $0x0  }
0x7e: {  	v4 =	vsel vm15, $0x40, v4;
	_ =	sdelay $0x2  }
0x7f: {  	v5 =	vadd.s32 v0, v4  }
0x80: {  	[tilespmem:$0x102B0] =	vst v5  }
0x81: {  	[tilespmem:v4+s0+$0x0] =	vst.idx.msk $0xffff, v3  }
0x82: {  	v4 =	vld [tilespmem:$0x10080];
	_ =	sdelay $0x4  }
0x83: {  	vm4 =	vlt.s32 v4, $0x0  }
0x84: {  	v4 =	vsel vm4, $0x40, v4;
	_ =	sdelay $0x2  }
0x85: {  	v5 =	vadd.s32 v0, v4  }
0x86: {  	[tilespmem:$0x10300] =	vst v5  }
0x87: {  	[tilespmem:v4+s0+$0x0] =	vst.idx.msk $0xffff, v3  }
0x88: {  	v4 =	vld [tilespmem:$0x10090];
	_ =	sdelay $0x4  }
0x89: {  	vm5 =	vlt.s32 v4, $0x0  }
0x8a: {  	v4 =	vsel vm5, $0x40, v4;
	_ =	sdelay $0x2  }
0x8b: {  	v5 =	vadd.s32 v0, v4  }
0x8c: {  	[tilespmem:$0x10310] =	vst v5  }
0x8d: {  	[tilespmem:v4+s0+$0x0] =	vst.idx.msk $0xffff, v3  }
0x8e: {  	v4 =	vld [tilespmem:$0x100A0];
	_ =	sdelay $0x4  }
0x8f: {  	vm6 =	vlt.s32 v4, $0x0  }
0x90: {  	v4 =	vsel vm6, $0x40, v4;
	_ =	sdelay $0x2  }
0x91: {  	v5 =	vadd.s32 v0, v4  }
0x92: {  	[tilespmem:$0x10320] =	vst v5  }
0x93: {  	[tilespmem:v4+s0+$0x0] =	vst.idx.msk $0xffff, v3  }
0x94: {  	v4 =	vld [tilespmem:$0x100B0];
	_ =	sdelay $0x4  }
0x95: {  	vm7 =	vlt.s32 v4, $0x0  }
0x96: {  	v4 =	vsel vm7, $0x40, v4;
	_ =	sdelay $0x2  }
0x97: {  	v5 =	vadd.s32 v0, v4  }
0x98: {  	[tilespmem:$0x10330] =	vst v5  }
0x99: {  	[tilespmem:v4+s0+$0x0] =	vst.idx.msk $0xffff, v3  }
0x9a: {  	v4 =	vld [tilespmem:$0x100C0];
	_ =	sdelay $0x4  }
0x9b: {  	vm8 =	vlt.s32 v4, $0x0  }
0x9c: {  	v4 =	vsel vm8, $0x40, v4;
	_ =	sdelay $0x2  }
0x9d: {  	v5 =	vadd.s32 v0, v4  }
0x9e: {  	[tilespmem:$0x10380] =	vst v5  }
0x9f: {  	[tilespmem:v4+s0+$0x0] =	vst.idx.msk $0xffff, v3  }
0xa0: {  	v4 =	vld [tilespmem:$0x100D0];
	_ =	sdelay $0x4  }
0xa1: {  	vm9 =	vlt.s32 v4, $0x0  }
0xa2: {  	v4 =	vsel vm9, $0x40, v4;
	_ =	sdelay $0x2  }
0xa3: {  	v5 =	vadd.s32 v0, v4  }
0xa4: {  	[tilespmem:$0x10390] =	vst v5  }
0xa5: {  	[tilespmem:v4+s0+$0x0] =	vst.idx.msk $0xffff, v3  }
0xa6: {  	v4 =	vld [tilespmem:$0x100E0];
	_ =	sdelay $0x4  }
0xa7: {  	vm10 =	vlt.s32 v4, $0x0  }
0xa8: {  	v4 =	vsel vm10, $0x40, v4;
	_ =	sdelay $0x2  }
0xa9: {  	v5 =	vadd.s32 v0, v4  }
0xaa: {  	[tilespmem:$0x103A0] =	vst v5  }
0xab: {  	[tilespmem:v4+s0+$0x0] =	vst.idx.msk $0xffff, v3  }
0xac: {  	v4 =	vld [tilespmem:$0x100F0];
	_ =	sdelay $0x4  }
0xad: {  	vm11 =	vlt.s32 v4, $0x0  }
0xae: {  	v4 =	vsel vm11, $0x40, v4;
	_ =	sdelay $0x2  }
0xaf: {  	v5 =	vadd.s32 v0, v4  }
0xb0: {  	[tilespmem:$0x103B0] =	vst v5  }
0xb1: {  	[tilespmem:v4+s0+$0x0] =	vst.idx.msk $0xffff, v3  }
0xb2: {  	v4 =	vld [tilespmem:$0x10100];
	_ =	sdelay $0x4  }
0xb3: {  	vm12 =	vlt.s32 v4, $0x0  }
0xb4: {  	v4 =	vsel vm12, $0x40, v4;
	_ =	sdelay $0x2  }
0xb5: {  	v5 =	vadd.s32 v0, v4  }
0xb6: {  	[tilespmem:$0x10400] =	vst v5  }
0xb7: {  	[tilespmem:v4+s0+$0x0] =	vst.idx.msk $0xffff, v3  }
0xb8: {  	v4 =	vld [tilespmem:$0x10110];
	_ =	sdelay $0x4  }
0xb9: {  	vm13 =	vlt.s32 v4, $0x0  }
0xba: {  	v4 =	vsel vm13, $0x40, v4;
	_ =	sdelay $0x2  }
0xbb: {  	v5 =	vadd.s32 v0, v4  }
0xbc: {  	[tilespmem:$0x10410] =	vst v5  }
0xbd: {  	[tilespmem:v4+s0+$0x0] =	vst.idx.msk $0xffff, v3  }
0xbe: {  	v4 =	vld [tilespmem:$0x10120];
	_ =	sdelay $0x4  }
0xbf: {  	vm14 =	vlt.s32 v4, $0x0  }
0xc0: {  	v4 =	vsel vm14, $0x40, v4;
	_ =	sdelay $0x2  }
0xc1: {  	v5 =	vadd.s32 v0, v4  }
0xc2: {  	[tilespmem:$0x10420] =	vst v5  }
0xc3: {  	[tilespmem:v4+s0+$0x0] =	vst.idx.msk $0xffff, v3  }
0xc4: {  	v4 =	vld [tilespmem:$0x10130];
	_ =	sdelay $0x4  }
0xc5: {  	vm15 =	vlt.s32 v4, $0x0  }
0xc6: {  	v4 =	vsel vm15, $0x40, v4;
	_ =	sdelay $0x2  }
0xc7: {  	v5 =	vadd.s32 v0, v4  }
0xc8: {  	[tilespmem:$0x10430] =	vst v5  }
0xc9: {  	[tilespmem:v4+s0+$0x0] =	vst.idx.msk $0xffff, v3  }
0xca: {  	v4 =	vld [tilespmem:$0x10140];
	_ =	sdelay $0x4  }
0xcb: {  	vm4 =	vlt.s32 v4, $0x0  }
0xcc: {  	v4 =	vsel vm4, $0x40, v4;
	_ =	sdelay $0x2  }
0xcd: {  	v5 =	vadd.s32 v0, v4  }
0xce: {  	[tilespmem:$0x10480] =	vst v5  }
0xcf: {  	[tilespmem:v4+s0+$0x0] =	vst.idx.msk $0xffff, v3  }
0xd0: {  	v4 =	vld [tilespmem:$0x10150];
	_ =	sdelay $0x4  }
0xd1: {  	vm5 =	vlt.s32 v4, $0x0  }
0xd2: {  	v4 =	vsel vm5, $0x40, v4;
	_ =	sdelay $0x2  }
0xd3: {  	v5 =	vadd.s32 v0, v4  }
0xd4: {  	[tilespmem:$0x10490] =	vst v5  }
0xd5: {  	[tilespmem:v4+s0+$0x0] =	vst.idx.msk $0xffff, v3  }
0xd6: {  	v4 =	vld [tilespmem:$0x10160];
	_ =	sdelay $0x4  }
0xd7: {  	vm6 =	vlt.s32 v4, $0x0  }
0xd8: {  	v4 =	vsel vm6, $0x40, v4;
	_ =	sdelay $0x2  }
0xd9: {  	v5 =	vadd.s32 v0, v4  }
0xda: {  	[tilespmem:$0x104A0] =	vst v5  }
0xdb: {  	[tilespmem:v4+s0+$0x0] =	vst.idx.msk $0xffff, v3  }
0xdc: {  	v4 =	vld [tilespmem:$0x10170];
	_ =	sdelay $0x4  }
0xdd: {  	vm7 =	vlt.s32 v4, $0x0  }
0xde: {  	v4 =	vsel vm7, $0x40, v4;
	_ =	sdelay $0x2  }
0xdf: {  	v5 =	vadd.s32 v0, v4  }
0xe0: {  	[tilespmem:$0x104B0] =	vst v5  }
0xe1: {  	[tilespmem:v4+s0+$0x0] =	vst.idx.msk $0xffff, v3  }
0xe2: {  	v4 =	vld [tilespmem:$0x10180];
	_ =	sdelay $0x4  }
0xe3: {  	vm8 =	vlt.s32 v4, $0x0  }
0xe4: {  	v4 =	vsel vm8, $0x40, v4;
	_ =	sdelay $0x2  }
0xe5: {  	v5 =	vadd.s32 v0, v4  }
0xe6: {  	[tilespmem:$0x10500] =	vst v5  }
0xe7: {  	[tilespmem:v4+s0+$0x0] =	vst.idx.msk $0xffff, v3  }
0xe8: {  	v4 =	vld [tilespmem:$0x10190];
	_ =	sdelay $0x4  }
0xe9: {  	vm9 =	vlt.s32 v4, $0x0  }
0xea: {  	v4 =	vsel vm9, $0x40, v4;
	_ =	sdelay $0x2  }
0xeb: {  	v5 =	vadd.s32 v0, v4  }
0xec: {  	[tilespmem:$0x10510] =	vst v5  }
0xed: {  	[tilespmem:v4+s0+$0x0] =	vst.idx.msk $0xffff, v3  }
0xee: {  	v4 =	vld [tilespmem:$0x101A0];
	_ =	sdelay $0x4  }
0xef: {  	vm10 =	vlt.s32 v4, $0x0  }
0xf0: {  	v4 =	vsel vm10, $0x40, v4;
	_ =	sdelay $0x2  }
0xf1: {  	v5 =	vadd.s32 v0, v4  }
0xf2: {  	[tilespmem:$0x10520] =	vst v5  }
0xf3: {  	[tilespmem:v4+s0+$0x0] =	vst.idx.msk $0xffff, v3  }
0xf4: {  	v4 =	vld [tilespmem:$0x101B0];
	_ =	sdelay $0x4  }
0xf5: {  	vm11 =	vlt.s32 v4, $0x0  }
0xf6: {  	v4 =	vsel vm11, $0x40, v4;
	_ =	sdelay $0x2  }
0xf7: {  	v5 =	vadd.s32 v0, v4  }
0xf8: {  	[tilespmem:$0x10530] =	vst v5  }
0xf9: {  	[tilespmem:v4+s0+$0x0] =	vst.idx.msk $0xffff, v3  }
0xfa: {  	v4 =	vld [tilespmem:$0x101C0];
	_ =	sdelay $0x4  }
0xfb: {  	vm12 =	vlt.s32 v4, $0x0  }
0xfc: {  	v4 =	vsel vm12, $0x40, v4;
	_ =	sdelay $0x2  }
0xfd: {  	v5 =	vadd.s32 v0, v4  }
0xfe: {  	[tilespmem:$0x10580] =	vst v5  }
0xff: {  	[tilespmem:v4+s0+$0x0] =	vst.idx.msk $0xffff, v3  }
0x100: {  	v4 =	vld [tilespmem:$0x101D0];
	_ =	sdelay $0x4  }
0x101: {  	vm13 =	vlt.s32 v4, $0x0  }
0x102: {  	v4 =	vsel vm13, $0x40, v4;
	_ =	sdelay $0x2  }
0x103: {  	v5 =	vadd.s32 v0, v4  }
0x104: {  	[tilespmem:$0x10590] =	vst v5  }
0x105: {  	[tilespmem:v4+s0+$0x0] =	vst.idx.msk $0xffff, v3  }
0x106: {  	v4 =	vld [tilespmem:$0x101E0];
	_ =	sdelay $0x4  }
0x107: {  	vm14 =	vlt.s32 v4, $0x0  }
0x108: {  	v4 =	vsel vm14, $0x40, v4;
	_ =	sdelay $0x2  }
0x109: {  	v5 =	vadd.s32 v0, v4  }
0x10a: {  	[tilespmem:$0x105A0] =	vst v5  }
0x10b: {  	[tilespmem:v4+s0+$0x0] =	vst.idx.msk $0xffff, v3  }
0x10c: {  	v4 =	vld [tilespmem:$0x101F0];
	_ =	sdelay $0x4  }
0x10d: {  	vm15 =	vlt.s32 v4, $0x0  }
0x10e: {  	v4 =	vsel vm15, $0x40, v4;
	_ =	sdelay $0x2  }
0x10f: {  	v5 =	vadd.s32 v0, v4  }
0x110: {  	[tilespmem:$0x105B0] =	vst v5  }
0x111: {  	[tilespmem:v4+s0+$0x0] =	vst.idx.msk $0xffff, v3  }
0x112: {  	[bflag:$0x0] =	sbarrier.arrive $0xFFFF  }
0x113: {  	_ =	swait.ge [sflag:s21], $0x2000  }
0x114: {  	[sflag:s21] =	ssyncset.done $0x0  }
0x115: {  	s19 =	simm.s32 $0x0;
	s26 =	simm.s32 $0x10200;
	[sflag:s21] =	ssyncadd.s32 $0xFFFFE000  }
0x116: {  	[spmem:s2] =	stream.indirect.scatter.add.f32 [tilespmem:s19], [sflag:$0x9], $0x80, s26, s30, $0xb8;
	[tilespmem:$0x125D0] =	vst v63  }
0x117: {  	_ =	swait.ge [sflag:s6], $0x2000  }
0x118: {  	[sflag:s6] =	ssyncset.done $0x0  }
0x119: {  	s26 =	simm.s32 $0x10280;
	[sflag:s6] =	ssyncadd.s32 $0xFFFFE000  }
0x11a: {  	[spmem:s2] =	stream.indirect.scatter.add.f32 [tilespmem:s28], [sflag:$0xA], $0x80, s26, s30, $0xb8;
	[tilespmem:$0x125D0] =	vst v63  }
0x11b: {  	_ =	swait.ge [sflag:s7], $0x2000  }
0x11c: {  	[sflag:s7] =	ssyncset.done $0x0  }
0x11d: {  	s26 =	simm.s32 $0x4000;
	s28 =	simm.s32 $0x10300;
	[sflag:s7] =	ssyncadd.s32 $0xFFFFE000  }
0x11e: {  	[spmem:s2] =	stream.indirect.scatter.add.f32 [tilespmem:s26], [sflag:$0xB], $0x80, s28, s30, $0xb8;
	[tilespmem:$0x125D0] =	vst v63  }
0x11f: {  	_ =	swait.ge [sflag:s8], $0x2000  }
0x120: {  	[sflag:s8] =	ssyncset.done $0x0  }
0x121: {  	s26 =	simm.s32 $0x6000;
	s28 =	simm.s32 $0x10380;
	[sflag:s8] =	ssyncadd.s32 $0xFFFFE000  }
0x122: {  	[spmem:s2] =	stream.indirect.scatter.add.f32 [tilespmem:s26], [sflag:$0xC], $0x80, s28, s30, $0xb8;
	[tilespmem:$0x125D0] =	vst v63  }
0x123: {  	_ =	swait.ge [sflag:s9], $0x2000  }
0x124: {  	[sflag:s9] =	ssyncset.done $0x0  }
0x125: {  	s26 =	simm.s32 $0x8000;
	s28 =	simm.s32 $0x10400;
	[sflag:s9] =	ssyncadd.s32 $0xFFFFE000  }
0x126: {  	[spmem:s2] =	stream.indirect.scatter.add.f32 [tilespmem:s26], [sflag:$0xD], $0x80, s28, s30, $0xb8;
	[tilespmem:$0x125D0] =	vst v63  }
0x127: {  	_ =	swait.ge [sflag:s10], $0x2000  }
0x128: {  	[sflag:s10] =	ssyncset.done $0x0  }
0x129: {  	s26 =	simm.s32 $0xA000;
	s28 =	simm.s32 $0x10480;
	[sflag:s10] =	ssyncadd.s32 $0xFFFFE000  }
0x12a: {  	[spmem:s2] =	stream.indirect.scatter.add.f32 [tilespmem:s26], [sflag:$0xE], $0x80, s28, s30, $0xb8;
	[tilespmem:$0x125D0] =	vst v63  }
0x12b: {  	_ =	swait.ge [sflag:s11], $0x2000  }
0x12c: {  	[sflag:s11] =	ssyncset.done $0x0  }
0x12d: {  	s26 =	simm.s32 $0xC000;
	s28 =	simm.s32 $0x10500;
	[sflag:s11] =	ssyncadd.s32 $0xFFFFE000  }
0x12e: {  	[spmem:s2] =	stream.indirect.scatter.add.f32 [tilespmem:s26], [sflag:$0xF], $0x80, s28, s30, $0xb8;
	[tilespmem:$0x125D0] =	vst v63  }
0x12f: {  	_ =	swait.ge [sflag:s12], $0x2000  }
0x130: {  	[sflag:s12] =	ssyncset.done $0x0  }
0x131: {  	s26 =	simm.s32 $0x10580;
	[sflag:s12] =	ssyncadd.s32 $0xFFFFE000  }
0x132: {  	[spmem:s2] =	stream.indirect.scatter.add.f32 [tilespmem:s29], [sflag:$0x10], $0x80, s26, s30, $0xb8;
	[tilespmem:$0x125D0] =	vst v63  }
0x133: {  	s28 =	rddreg [dreg:$0xf]  }
0x134: {  	[spmem:s28] =	stream.linear.scatter [tilespmem:s0], [sflag:$0x12], $0x80, $0x38;
	[tilespmem:$0x125D0] =	vst v63  }
0x135: {  	_ =	swait.ge [sflag:s31], $0x80  }
0x136: {  	[sflag:s31] =	ssyncset.done $0x0  }
0x137: {  	[sflag:s31] =	ssyncadd.s32 $0xFFFFFF80  }
0x138: {  	_ =	swait.ge [sflag:s13], $0x2000  }
0x139: {  	[sflag:s13] =	ssyncset.done $0x0  }
0x13a: {  	[sflag:s13] =	ssyncadd.s32 $0xFFFFE000  }
0x13b: {  	_ =	swait.ge [sflag:s14], $0x2000  }
0x13c: {  	[sflag:s14] =	ssyncset.done $0x0  }
0x13d: {  	[sflag:s14] =	ssyncadd.s32 $0xFFFFE000  }
0x13e: {  	_ =	swait.ge [sflag:s15], $0x2000  }
0x13f: {  	[sflag:s15] =	ssyncset.done $0x0  }
0x140: {  	[sflag:s15] =	ssyncadd.s32 $0xFFFFE000  }
0x141: {  	_ =	swait.ge [sflag:s16], $0x2000  }
0x142: {  	[sflag:s16] =	ssyncset.done $0x0  }
0x143: {  	[sflag:s16] =	ssyncadd.s32 $0xFFFFE000  }
0x144: {  	_ =	swait.ge [sflag:s22], $0x2000  }
0x145: {  	[sflag:s22] =	ssyncset.done $0x0  }
0x146: {  	[sflag:s22] =	ssyncadd.s32 $0xFFFFE000  }
0x147: {  	_ =	swait.ge [sflag:s23], $0x2000  }
0x148: {  	[sflag:s23] =	ssyncset.done $0x0  }
0x149: {  	[sflag:s23] =	ssyncadd.s32 $0xFFFFE000  }
0x14a: {  	_ =	swait.ge [sflag:s24], $0x2000  }
0x14b: {  	[sflag:s24] =	ssyncset.done $0x0  }
0x14c: {  	[sflag:s24] =	ssyncadd.s32 $0xFFFFE000  }
0x14d: {  	_ =	swait.ge [sflag:s17], $0x2000  }
0x14e: {  	[sflag:s17] =	ssyncset.done $0x0  }
0x14f: {  	[sflag:s17] =	ssyncadd.s32 $0xFFFFE000  }
0x150: {  	[bflag:$0x0] =	sbarrier.arrive $0xFFFF  }
0x151: {  	s28 =	simm.s32 $0x10680;
	s26 =	rddreg [dreg:$0x10]  }
0x152: {  	[tilespmem:s28], [sflag:$0x11] =	stream.linear.gather [spmem:s26], $0x200, $0x38;
	[tilespmem:$0x125D0] =	vst v63  }
0x153: {  	s28 =	rddreg [dreg:$0x11]  }
0x154: {  	[tilespmem:s25], [sflag:$0x1] =	stream.linear.gather [spmem:s28], $0x800, $0x38;
	[tilespmem:$0x125D0] =	vst v63  }
0x155: {  	_ =	swait.ge [sflag:s21], $0x800  }
0x156: {  	[sflag:s21] =	ssyncset.done $0x0  }
0x157: {  	s26 =	simm.s32 $0x0;
	[sflag:s21] =	ssyncadd.s32 $0xFFFFF800  }
0x158: {  	v7 =	vld [tilespmem:s26+$0x11480]  }
0x159: {  	v9 =	vld [tilespmem:s26+$0x11490]  }
0x15a: {  	v8 =	vld [tilespmem:s26+$0x114A0]  }
0x15b: {  	v6 =	vld [tilespmem:s26+$0x114B0]  }
0x15c: {  	v4 =	vld [tilespmem:s26+$0x114C0]  }
0x15d: {  	v5 =	vld [tilespmem:s26+$0x114D0];
	v10 =	vmul.f32 $4.882812500e-04, v7  }
0x15e: {  	s19 =	simm.s32 $0x200;
	v9 =	vmul.f32 $4.882812500e-04, v9;
	v7 =	vld [tilespmem:s26+$0x114E0]  }
.LBB2_4:
0x15f: {  	s28 =	sshra.s32 s19, $0x2;
	p0 =	sne.s32 s19, $0x1E00;
	[tilespmem:s26+$0x11480] =	vst v10;
	v8 =	vmul.f32 $4.882812500e-04, v8;
	v10 =	vld [tilespmem:s26+$0x114F0]  }
0x160: {  	v11 =	vld [tilespmem:s28+$0x11480];
	[tilespmem:s26+$0x11490] =	vst v9;
	v6 =	vmul.f32 $4.882812500e-04, v6  }
0x161: {  	v9 =	vld [tilespmem:s28+$0x11490];
	[tilespmem:s26+$0x114A0] =	vst v8;
	v4 =	vmul.f32 $4.882812500e-04, v4  }
.Ltmp1:
0x162: {  	v8 =	vld [tilespmem:s28+$0x114A0];
	[tilespmem:s26+$0x114B0] =	vst v6;
	v5 =	vmul.f32 $4.882812500e-04, v5;
	(pc) =	sbr.rel @p0 .LBB2_4-.Ltmp1, $4  }
0x163: {  	v6 =	vld [tilespmem:s28+$0x114B0];
	[tilespmem:s26+$0x114C0] =	vst v4;
	v7 =	vmul.f32 $4.882812500e-04, v7  }
0x164: {  	v4 =	vld [tilespmem:s28+$0x114C0];
	[tilespmem:s26+$0x114D0] =	vst v5;
	v12 =	vmul.f32 $4.882812500e-04, v10  }
0x165: {  	v10 =	vmul.f32 $4.882812500e-04, v11;
	v5 =	vld [tilespmem:s28+$0x114D0];
	[tilespmem:s26+$0x114E0] =	vst v7  }
0x166: {  	s19 =	sadd.s32 $0x200, s19;
	v9 =	vmul.f32 $4.882812500e-04, v9;
	v7 =	vld [tilespmem:s28+$0x114E0];
	[tilespmem:s26+$0x114F0] =	vst v12;
	s26 =	smov.u32 s28  }
0x167: {  	[tilespmem:s26+$0x11480] =	vst v10;
	v8 =	vmul.f32 $4.882812500e-04, v8;
	v61 =	vld [tilespmem:s26+$0x114F0]  }
0x168: {  	[tilespmem:s26+$0x11490] =	vst v9;
	v6 =	vmul.f32 $4.882812500e-04, v6  }
0x169: {  	[tilespmem:s26+$0x114A0] =	vst v8;
	v4 =	vmul.f32 $4.882812500e-04, v4  }
0x16a: {  	[tilespmem:s26+$0x114B0] =	vst v6;
	v5 =	vmul.f32 $4.882812500e-04, v5  }
0x16b: {  	[tilespmem:s26+$0x114C0] =	vst v4;
	v4 =	vmul.f32 $4.882812500e-04, v7  }
0x16c: {  	[tilespmem:s26+$0x114D0] =	vst v5;
	v5 =	vmul.f32 $4.882812500e-04, v61  }
0x16d: {  	[tilespmem:s26+$0x114E0] =	vst v4  }
0x16e: {  	s19 =	rddreg [dreg:$0x12];
	[tilespmem:s26+$0x114F0] =	vst v5  }
0x16f: {  	[hbm4b:s19+s4] =	stream.linear.scatter [tilespmem:s25], [sflag:$0x2], $0x800, $0x38;
	[tilespmem:$0x125D0] =	vst v63  }
0x170: {  	_ =	swait.ge [sflag:s1], $0x200  }
0x171: {  	[sflag:s1] =	ssyncset.done $0x0  }
0x172: {  	[sflag:s1] =	ssyncadd.s32 $0xFFFFFE00  }
0x173: {  	v4 =	vld [tilespmem:s3+$0x10680]  }
0x174: {  	v5 =	vld [tilespmem:s3+$0x10700];
	_ =	sdelay $0x1  }
0x175: {  	v62 =	vld [tilespmem:s3+$0x10780];
	_ =	sdelay $0x1  }
0x176: {  	v63 =	vld [tilespmem:s3+$0x10800]  }
0x177: {  	vm0 =	vgt.s32 v4, v5  }
0x178: {  	v4 =	vsel vm0, v4, v5  }
0x179: {  	vm0 =	vgt.s32 v4, v62  }
0x17a: {  	v4 =	vsel vm0, v4, v62  }
0x17b: {  	vm0 =	vgt.s32 v4, v63  }
0x17c: {  	v4 =	vsel vm0, v4, v63  }
0x17d: {  	s18 =	sadd.s32 $0x1, s18;
	s26 =	simm.s32 $0x11C80;
	s19 =	rddreg [dreg:$0x13];
	[tilespmem:$0x11C80] =	vst v4  }
0x17e: {  	[hbm4b:s19+s4] =	stream.linear.scatter [tilespmem:s26], [sflag:$0x12], $0x10, $0x38;
	[tilespmem:$0x125D0] =	vst v63  }
0x17f: {  	p0 =	sne.s32 s18, s20;
	_ =	swait.ge [sflag:s31], $0x10  }
.Ltmp2:
0x180: {  	[sflag:s31] =	ssyncset.done $0x0;
	(pc) =	sbr.rel @p0 .LBB2_1-.Ltmp2, $4  }
0x181: {  	[sflag:s31] =	ssyncadd.s32 $0xFFFFFFF0  }
0x182: {  	_ =	swait.ge [sflag:s6], $0x800  }
0x183: {  	[sflag:s6] =	ssyncset.done $0x0  }
0x184: {  	s28 =	simm.s32 $0x2000;
	[sflag:s6] =	ssyncadd.s32 $0xFFFFF800  }
0x185: {  	_ =	sfence.sel $0x180000  }
0x186: {  	[bflag:$0x0] =	sbarrier.arrive $0xFFFF  }
0x187: {  	_ =	strace $0x90000047  }
0x188: {  	s0 =	stileid.u32;
	[bflag:$0x2] =	sbarrier.arrive $0xFFFF  }
0x189: {  	p0 =	sne.s32 s0, $0x0;
	s0 =	rddreg [dreg:$0x5]  }
0x18a: {  	s0 =	sadd.s32 @!p0 $0x100000, s0  }
0x18b: {  	[sflag:s0] =	ssyncadd.tile.s32 @!p0 $0x1;
	_ =	shalt  }
.Lfunc_end2:
_tile_overlayer_lowered:
.L_overlay_start_2:
0x18c: {  	(tag) =	ssettag $0x2  }
0x18d: {  	s0 =	rddreg [dreg:$0x0];
	s2 =	stileid.u32  }
0x18e: {  	s1 =	rddreg [dreg:$0x1];
	p0 =	sne.s32 s2, $0x0  }
0x18f: {  	s3 =	rddreg [dreg:$0x2];
	[bflag:$0x3] =	sbarrier.arrive $0xFFFF;
	s2 =	simm.s32 @!p0 $0x1C12  }
0x190: {  	[timem:s3], [sflag:s2] =	dma.local @!p0 [hbm:s0], s1  }
0x191: {  	s0 =	simm.s32 @!p0 $0x12  }
0x192: {  	_ =	swait.ge @!p0 [sflag:s0], s1  }
0x193: {  	s1 =	ssub.s32 @!p0 $0x0, s1;
	[sflag:s0] =	ssyncset.done @!p0 $0x0  }
0x194: {  	[sflag:s0] =	ssyncadd.s32 @!p0 s1  }
0x195: {  	[bflag:$0x3] =	sbarrier.arrive $0xFFFF  }
0x196: {  	_ =	shalt  }

</sc_bundles>
